<compile_context>
chip_gen: v7x
topology: tpu7x:2x2x1
jax: 0.10.2.dev20260603
libtpu: 0.0.44.dev20260713+nightly
codegen_flags: <defaults>
</compile_context>

<pallas_src>
import functools

import jax
import jax.numpy as jnp
from jax import lax
from jax.experimental import pallas as pl
from jax.experimental.pallas import tpu as pltpu
from jax.experimental.pallas import tpu_sc as plsc

N_NODES = 10000
N_PAD = 10112
D = 128
E = 320000
NC = 2
NS = 16
NW = NC * NS
CHUNK = 128
N_CHUNKS = E // CHUNK
CPW = 80
NPASS = 2
CPP = CPW // NPASS
LAST_CNT = N_CHUNKS - (NW - 1) * CPW
ROWS_PER_SUB = N_PAD // NS

_SC_MESH = plsc.VectorSubcoreMesh(core_axis_name="c", subcore_axis_name="s")


@functools.partial(
    pl.kernel,
    out_type=jax.ShapeDtypeStruct((NC * N_PAD, D), jnp.float32),
    mesh=_SC_MESH,
    scratch_types=[
        pltpu.VMEM_SHARED((N_PAD, D), jnp.float32),
        pltpu.VMEM((CPP, CHUNK), jnp.int32),
        pltpu.VMEM((CPP, CHUNK), jnp.int32),
        pltpu.VMEM((CHUNK, D), jnp.float32),
        pltpu.VMEM((CHUNK, D), jnp.float32),
        pltpu.SemaphoreType.DMA,
        pltpu.SemaphoreType.DMA,
        pltpu.SemaphoreType.DMA,
        pltpu.SemaphoreType.DMA,
    ],
)
def _sc_aggregate(x_hbm, src_hbm, dst_hbm, srct_hbm, dstt_hbm, out_hbm,
                  aggr_sh, src_v, dst_v, rows0, rows1, sg0, sg1, ss0, ss1):
    c = lax.axis_index("c")
    s = lax.axis_index("s")
    w = c * NS + s

    r0 = s * ROWS_PER_SUB
    rows = (rows0, rows1)
    sg = (sg0, sg1)
    ss = (ss0, ss1)

    last = w == NW - 1
    count = jnp.where(last, LAST_CNT, CPP)
    for p in range(NPASS):
        base = w * CPW + p * CPP
        if p == 0:
            @pl.when(jnp.logical_not(last))
            def _():
                pltpu.sync_copy(src_hbm.at[pl.ds(base, CPP)], src_v)
                pltpu.sync_copy(dst_hbm.at[pl.ds(base, CPP)], dst_v)

            @pl.when(last)
            def _():
                t0 = LAST_CNT - 4
                pltpu.sync_copy(src_hbm.at[pl.ds(base, t0)],
                                src_v.at[pl.ds(0, t0)])
                pltpu.sync_copy(dst_hbm.at[pl.ds(base, t0)],
                                dst_v.at[pl.ds(0, t0)])
                for k in range(4):
                    pltpu.sync_copy(srct_hbm.at[pl.ds(k * CHUNK, CHUNK)],
                                    src_v.at[t0 + k])
                    pltpu.sync_copy(dstt_hbm.at[pl.ds(k * CHUNK, CHUNK)],
                                    dst_v.at[t0 + k])
        else:
            @pl.when(jnp.logical_not(last))
            def _():
                pltpu.sync_copy(src_hbm.at[pl.ds(base, CPP)], src_v)
                pltpu.sync_copy(dst_hbm.at[pl.ds(base, CPP)], dst_v)

        pcount = count if p == 0 else jnp.where(last, 0, CPP)

        @pl.when(pcount > 0)
        def _():
            pltpu.async_copy(x_hbm.at[src_v.at[0]], rows0, sg0)
            pltpu.async_copy(x_hbm.at[src_v.at[1]], rows1, sg1)

        if p == 0:
            @pl.when(s < NS - 1)
            def _():
                pltpu.sync_copy(x_hbm.at[pl.ds(r0, ROWS_PER_SUB)],
                                aggr_sh.at[pl.ds(r0, ROWS_PER_SUB)])

            @pl.when(s == NS - 1)
            def _():
                pltpu.sync_copy(
                    x_hbm.at[pl.ds(r0, N_NODES - (NS - 1) * ROWS_PER_SUB)],
                    aggr_sh.at[pl.ds(r0, N_NODES - (NS - 1) * ROWS_PER_SUB)])

            plsc.subcore_barrier()

        def pair(g, carry):
            for b in (0, 1):
                j = g * 2 + b

                @pl.when(j < pcount)
                def _(b=b, j=j):
                    pltpu.make_async_copy(x_hbm.at[src_v.at[j]], rows[b],
                                          sg[b]).wait()
                    pltpu.async_copy(rows[b], aggr_sh.at[dst_v.at[j]], ss[b],
                                     add=True)
                    pltpu.make_async_copy(rows[b], aggr_sh.at[dst_v.at[j]],
                                          ss[b]).wait()
                    @pl.when(j + 2 < pcount)
                    def _():
                        pltpu.async_copy(x_hbm.at[src_v.at[j + 2]], rows[b],
                                         sg[b])
            return carry

        lax.fori_loop(0, CPP // 2, pair, 0)

    plsc.subcore_barrier()
    pltpu.sync_copy(aggr_sh.at[pl.ds(r0, ROWS_PER_SUB)],
                    out_hbm.at[pl.ds(c * N_PAD + r0, ROWS_PER_SUB)])


def _tc_block(x_ref, p_ref, w1_ref, b1_ref, w2_ref, b2_ref, g_ref, bt_ref,
              wr_ref, br_ref, o_ref):
    x = x_ref[...]
    h = p_ref[0] + p_ref[1] - x
    cdims = (((1,), (1,)), ((), ()))
    a = lax.dot_general(h, w1_ref[...], cdims,
                        preferred_element_type=jnp.float32) + b1_ref[...]
    a = jnp.maximum(a, 0.0)
    hh = lax.dot_general(a, w2_ref[...], cdims,
                         preferred_element_type=jnp.float32) + b2_ref[...]
    mean = jnp.mean(hh, axis=1, keepdims=True)
    cen = hh - mean
    var = jnp.mean(cen * cen, axis=1, keepdims=True)
    hn = cen * lax.rsqrt(var + 1e-5) * g_ref[...] + bt_ref[...]
    res = lax.dot_general(x, wr_ref[...], cdims,
                          preferred_element_type=jnp.float32) + br_ref[...]
    o_ref[...] = hn + res


_ROWS_BLK = 5000


def kernel(x, edge_index, W1, b1, W2, b2, gamma, beta, Wres, bres):
    x = x.astype(jnp.float32)
    ei = edge_index.astype(jnp.int32)
    src = ei[0]
    dst = ei[1]

    src_p = src.reshape(N_CHUNKS, CHUNK)
    dst_p = dst.reshape(N_CHUNKS, CHUNK)

    tail = (N_CHUNKS - 4) * CHUNK
    partials = _sc_aggregate(x, src_p, dst_p, src[tail:], dst[tail:]).reshape(
        NC, N_PAD, D)

    n_blk = N_NODES // _ROWS_BLK
    full = pl.BlockSpec((128, 128), lambda i: (0, 0))
    vec = pl.BlockSpec((1, 128), lambda i: (0, 0))
    out = pl.pallas_call(
        _tc_block,
        grid=(n_blk,),
        in_specs=[
            pl.BlockSpec((_ROWS_BLK, D), lambda i: (i, 0)),
            pl.BlockSpec((NC, _ROWS_BLK, D), lambda i: (0, i, 0)),
            full, vec, full, vec, vec, vec, full, vec,
        ],
        out_specs=pl.BlockSpec((_ROWS_BLK, D), lambda i: (i, 0)),
        out_shape=jax.ShapeDtypeStruct((N_NODES, D), jnp.float32),
    )(x, partials, W1, b1.reshape(1, D), W2, b2.reshape(1, D),
      gamma.reshape(1, D), beta.reshape(1, D), Wres, bres.reshape(1, D))
    return out

# --- scband reference (transcript-rebuilt; emitter-appended) ---
"""Pipeline reference for scband-ginblock-6476810682403 (READ-ONLY COPY).

The authoritative reference and input builder live on the scoring server;
editing this copy changes nothing except your own understanding.
"""

import jax, jax.numpy as jnp
import numpy as np

N_NODES = 10000
N_EDGES = 320000
D_IN = 128
HIDDEN = 128


def setup_inputs(seed: int = 0) -> dict:
    key = jax.random.key(seed)
    ks = jax.random.split(key, 10)
    x = jax.random.normal(ks[0], (N_NODES, D_IN), dtype=jnp.float32)
    edge_index = jax.random.randint(ks[1], (2, N_EDGES), 0, N_NODES, dtype=jnp.int64)
    s1 = 1.0 / np.sqrt(D_IN)
    s2 = 1.0 / np.sqrt(HIDDEN)
    W1 = jax.random.uniform(ks[2], (HIDDEN, D_IN), jnp.float32, -s1, s1)
    b1 = jax.random.uniform(ks[3], (HIDDEN,), jnp.float32, -s1, s1)
    W2 = jax.random.uniform(ks[4], (HIDDEN, HIDDEN), jnp.float32, -s2, s2)
    b2 = jax.random.uniform(ks[5], (HIDDEN,), jnp.float32, -s2, s2)
    gamma = jnp.ones((HIDDEN,), jnp.float32)
    beta = jnp.zeros((HIDDEN,), jnp.float32)
    Wres = jax.random.uniform(ks[6], (HIDDEN, D_IN), jnp.float32, -s1, s1)
    bres = jax.random.uniform(ks[7], (HIDDEN,), jnp.float32, -s1, s1)
    return {"x": x, "edge_index": edge_index, "W1": W1, "b1": b1, "W2": W2, "b2": b2, "gamma": gamma, "beta": beta, "Wres": Wres, "bres": bres}


def reference(x, edge_index, W1, b1, W2, b2, gamma, beta, Wres, bres):
    # GINConv: h = MLP((1+eps)*x + sum_{j in N(i)} x_j), eps=0 default
    src = edge_index[0]
    dst = edge_index[1]
    msgs = jnp.take(x, src, axis=0)
    aggr = jax.ops.segment_sum(msgs, dst, num_segments=x.shape[0])
    h = x + aggr
    # MLP: Linear -> ReLU -> Linear
    h = jnp.maximum(h @ W1.T + b1, 0.0)
    h = h @ W2.T + b2
    # LayerNorm
    mean = jnp.mean(h, axis=-1, keepdims=True)
    var = jnp.var(h, axis=-1, keepdims=True)
    h = (h - mean) / jnp.sqrt(var + 1e-5) * gamma + beta
    # Dropout p=0 -> identity; residual projection
    out = h + (x @ Wres.T + bres)
    return out

if __name__ == "__main__":
    import jax
    _d = setup_inputs()
    print(jax.jit(kernel)(*tuple(_d.values())))

</pallas_src>

<mosaic_0001>
#map = affine_map<(d0, d1) -> (0, 0)>
#map1 = affine_map<(d0, d1) -> (0)>
module attributes {stable_mosaic.version = 14 : i64} {
  func.func @_sc_aggregate(%arg0: i32, %arg1: i32, %arg2: memref<10000x128xf32, #tpu.memory_space<hbm>>, %arg3: memref<2500x128xi32, #tpu.memory_space<hbm>>, %arg4: memref<2500x128xi32, #tpu.memory_space<hbm>>, %arg5: memref<512xi32, #tpu.memory_space<hbm>>, %arg6: memref<512xi32, #tpu.memory_space<hbm>>, %arg7: memref<20224x128xf32, #tpu.memory_space<hbm>>, %arg8: memref<10112x128xf32, #tpu.memory_space<vmem_shared>>, %arg9: memref<40x128xi32, #tpu.memory_space<vmem>>, %arg10: memref<40x128xi32, #tpu.memory_space<vmem>>, %arg11: memref<128x128xf32, #tpu.memory_space<vmem>>, %arg12: memref<128x128xf32, #tpu.memory_space<vmem>>, %arg13: memref<!tpu.dma_semaphore, #tpu.memory_space<semaphore_mem>>, %arg14: memref<!tpu.dma_semaphore, #tpu.memory_space<semaphore_mem>>, %arg15: memref<!tpu.dma_semaphore, #tpu.memory_space<semaphore_mem>>, %arg16: memref<!tpu.dma_semaphore, #tpu.memory_space<semaphore_mem>>) attributes {dimension_semantics = [#tpu.dimension_semantics<core_parallel>, #tpu.dimension_semantics<subcore_parallel>], iteration_bounds = array<i64: 2, 16>, scalar_prefetch = 0 : i64, scratch_operands = 9 : i64, tpu.core_type = #tpu.core_type<sc_vector_subcore>, window_params = [{transform_indices = #map}, {transform_indices = #map}, {transform_indices = #map}, {transform_indices = #map1}, {transform_indices = #map1}, {transform_indices = #map}]} {
    %mul3A = arith.constant 16 : i32
    %mul3A_0 = arith.muli %arg0, %mul3A : i32
    %add3A = arith.addi %mul3A_0, %arg1 : i32
    %mul3A_1 = arith.constant 632 : i32
    %mul3A_2 = arith.muli %arg1, %mul3A_1 : i32
    %eq3A = arith.constant 31 : i32
    %eq3A_3 = arith.cmpi eq, %add3A, %eq3A : i32
    %jit3A = arith.constant 20 : i32
    %jit3A_4 = arith.constant 40 : i32
    %select_n3A = arith.select %eq3A_3, %jit3A, %jit3A_4 : i32
    %mul3A_5 = arith.constant 80 : i32
    %mul3A_6 = arith.muli %add3A, %mul3A_5 : i32
    %add3A_7 = arith.constant 0 : i32
    %add3A_8 = arith.addi %mul3A_6, %add3A_7 : i32
    %not3A = arith.constant true
    %not3A_9 = arith.xori %eq3A_3, %not3A : i1
    %convert_element_type3A = arith.extui %not3A_9 : i1 to i32
    %cond3A = arith.constant 0 : i32
    %cond3A_10 = arith.cmpi ne, %convert_element_type3A, %cond3A : i32
    scf.if %cond3A_10 {
      "tpu.region"() ({
        %run_scoped3A = tpu.sem_alloc : memref<!tpu.dma_semaphore, #tpu.memory_space<semaphore_mem>>
        %dma_start3A = arith.constant 0 : i32
        %dma_start3A_59 = tpu.memref_slice %arg3[%add3A_8, %dma_start3A] : memref<2500x128xi32, #tpu.memory_space<hbm>> -> memref<40x128xi32, #tpu.memory_space<hbm>>
        %dma_start3A_60 = arith.constant 0 : i32
        %dma_start3A_61 = tpu.memref_slice %arg3[%add3A_8, %dma_start3A_60] : memref<2500x128xi32, #tpu.memory_space<hbm>> -> memref<40x128xi32, #tpu.memory_space<hbm>>
        tpu.enqueue_dma source(%dma_start3A_61 : memref<40x128xi32, #tpu.memory_space<hbm>>) target(%arg9 : memref<40x128xi32, #tpu.memory_space<vmem>>) target_semaphore(%run_scoped3A : memref<!tpu.dma_semaphore, #tpu.memory_space<semaphore_mem>>)
        %dma_wait3A = arith.constant 0 : i32
        %dma_wait3A_62 = tpu.memref_slice %arg3[%add3A_8, %dma_wait3A] : memref<2500x128xi32, #tpu.memory_space<hbm>> -> memref<40x128xi32, #tpu.memory_space<hbm>>
        %dma_wait3A_63 = arith.constant 0 : i32
        %dma_wait3A_64 = tpu.memref_slice %arg3[%add3A_8, %dma_wait3A_63] : memref<2500x128xi32, #tpu.memory_space<hbm>> -> memref<40x128xi32, #tpu.memory_space<hbm>>
        tpu.wait_dma2 semaphore(%run_scoped3A : memref<!tpu.dma_semaphore, #tpu.memory_space<semaphore_mem>>) src(%dma_wait3A_64 : memref<40x128xi32, #tpu.memory_space<hbm>>) dst(%arg9 : memref<40x128xi32, #tpu.memory_space<vmem>>)
        tpu.yield
      }) : () -> ()
      "tpu.region"() ({
        %run_scoped3A = tpu.sem_alloc : memref<!tpu.dma_semaphore, #tpu.memory_space<semaphore_mem>>
        %dma_start3A = arith.constant 0 : i32
        %dma_start3A_59 = tpu.memref_slice %arg4[%add3A_8, %dma_start3A] : memref<2500x128xi32, #tpu.memory_space<hbm>> -> memref<40x128xi32, #tpu.memory_space<hbm>>
        %dma_start3A_60 = arith.constant 0 : i32
        %dma_start3A_61 = tpu.memref_slice %arg4[%add3A_8, %dma_start3A_60] : memref<2500x128xi32, #tpu.memory_space<hbm>> -> memref<40x128xi32, #tpu.memory_space<hbm>>
        tpu.enqueue_dma source(%dma_start3A_61 : memref<40x128xi32, #tpu.memory_space<hbm>>) target(%arg10 : memref<40x128xi32, #tpu.memory_space<vmem>>) target_semaphore(%run_scoped3A : memref<!tpu.dma_semaphore, #tpu.memory_space<semaphore_mem>>)
        %dma_wait3A = arith.constant 0 : i32
        %dma_wait3A_62 = tpu.memref_slice %arg4[%add3A_8, %dma_wait3A] : memref<2500x128xi32, #tpu.memory_space<hbm>> -> memref<40x128xi32, #tpu.memory_space<hbm>>
        %dma_wait3A_63 = arith.constant 0 : i32
        %dma_wait3A_64 = tpu.memref_slice %arg4[%add3A_8, %dma_wait3A_63] : memref<2500x128xi32, #tpu.memory_space<hbm>> -> memref<40x128xi32, #tpu.memory_space<hbm>>
        tpu.wait_dma2 semaphore(%run_scoped3A : memref<!tpu.dma_semaphore, #tpu.memory_space<semaphore_mem>>) src(%dma_wait3A_64 : memref<40x128xi32, #tpu.memory_space<hbm>>) dst(%arg10 : memref<40x128xi32, #tpu.memory_space<vmem>>)
        tpu.yield
      }) : () -> ()
    } else {
    }
    %convert_element_type3A_11 = arith.extui %eq3A_3 : i1 to i32
    %cond3A_12 = arith.constant 0 : i32
    %cond3A_13 = arith.cmpi ne, %convert_element_type3A_11, %cond3A_12 : i32
    scf.if %cond3A_13 {
      "tpu.region"() ({
        %run_scoped3A_66 = tpu.sem_alloc : memref<!tpu.dma_semaphore, #tpu.memory_space<semaphore_mem>>
        %dma_start3A = arith.constant 0 : i32
        %dma_start3A_67 = arith.constant 0 : i32
        %dma_start3A_68 = tpu.memref_slice %arg9[%dma_start3A, %dma_start3A_67] : memref<40x128xi32, #tpu.memory_space<vmem>> -> memref<16x128xi32, #tpu.memory_space<vmem>>
        %dma_start3A_69 = arith.constant 0 : i32
        %dma_start3A_70 = tpu.memref_slice %arg3[%add3A_8, %dma_start3A_69] : memref<2500x128xi32, #tpu.memory_space<hbm>> -> memref<16x128xi32, #tpu.memory_space<hbm>>
        %dma_start3A_71 = arith.constant 0 : i32
        %dma_start3A_72 = arith.constant 0 : i32
        %dma_start3A_73 = tpu.memref_slice %arg9[%dma_start3A_71, %dma_start3A_72] : memref<40x128xi32, #tpu.memory_space<vmem>> -> memref<16x128xi32, #tpu.memory_space<vmem>>
        %dma_start3A_74 = arith.constant 0 : i32
        %dma_start3A_75 = tpu.memref_slice %arg3[%add3A_8, %dma_start3A_74] : memref<2500x128xi32, #tpu.memory_space<hbm>> -> memref<16x128xi32, #tpu.memory_space<hbm>>
        tpu.enqueue_dma source(%dma_start3A_75 : memref<16x128xi32, #tpu.memory_space<hbm>>) target(%dma_start3A_73 : memref<16x128xi32, #tpu.memory_space<vmem>>) target_semaphore(%run_scoped3A_66 : memref<!tpu.dma_semaphore, #tpu.memory_space<semaphore_mem>>)
        %dma_wait3A = arith.constant 0 : i32
        %dma_wait3A_76 = arith.constant 0 : i32
        %dma_wait3A_77 = tpu.memref_slice %arg9[%dma_wait3A, %dma_wait3A_76] : memref<40x128xi32, #tpu.memory_space<vmem>> -> memref<16x128xi32, #tpu.memory_space<vmem>>
        %dma_wait3A_78 = arith.constant 0 : i32
        %dma_wait3A_79 = tpu.memref_slice %arg3[%add3A_8, %dma_wait3A_78] : memref<2500x128xi32, #tpu.memory_space<hbm>> -> memref<16x128xi32, #tpu.memory_space<hbm>>
        %dma_wait3A_80 = arith.constant 0 : i32
        %dma_wait3A_81 = arith.constant 0 : i32
        %dma_wait3A_82 = tpu.memref_slice %arg9[%dma_wait3A_80, %dma_wait3A_81] : memref<40x128xi32, #tpu.memory_space<vmem>> -> memref<16x128xi32, #tpu.memory_space<vmem>>
        %dma_wait3A_83 = arith.constant 0 : i32
        %dma_wait3A_84 = tpu.memref_slice %arg3[%add3A_8, %dma_wait3A_83] : memref<2500x128xi32, #tpu.memory_space<hbm>> -> memref<16x128xi32, #tpu.memory_space<hbm>>
        tpu.wait_dma2 semaphore(%run_scoped3A_66 : memref<!tpu.dma_semaphore, #tpu.memory_space<semaphore_mem>>) src(%dma_wait3A_84 : memref<16x128xi32, #tpu.memory_space<hbm>>) dst(%dma_wait3A_82 : memref<16x128xi32, #tpu.memory_space<vmem>>)
        tpu.yield
      }) : () -> ()
      "tpu.region"() ({
        %run_scoped3A_66 = tpu.sem_alloc : memref<!tpu.dma_semaphore, #tpu.memory_space<semaphore_mem>>
        %dma_start3A = arith.constant 0 : i32
        %dma_start3A_67 = arith.constant 0 : i32
        %dma_start3A_68 = tpu.memref_slice %arg10[%dma_start3A, %dma_start3A_67] : memref<40x128xi32, #tpu.memory_space<vmem>> -> memref<16x128xi32, #tpu.memory_space<vmem>>
        %dma_start3A_69 = arith.constant 0 : i32
        %dma_start3A_70 = tpu.memref_slice %arg4[%add3A_8, %dma_start3A_69] : memref<2500x128xi32, #tpu.memory_space<hbm>> -> memref<16x128xi32, #tpu.memory_space<hbm>>
        %dma_start3A_71 = arith.constant 0 : i32
        %dma_start3A_72 = arith.constant 0 : i32
        %dma_start3A_73 = tpu.memref_slice %arg10[%dma_start3A_71, %dma_start3A_72] : memref<40x128xi32, #tpu.memory_space<vmem>> -> memref<16x128xi32, #tpu.memory_space<vmem>>
        %dma_start3A_74 = arith.constant 0 : i32
        %dma_start3A_75 = tpu.memref_slice %arg4[%add3A_8, %dma_start3A_74] : memref<2500x128xi32, #tpu.memory_space<hbm>> -> memref<16x128xi32, #tpu.memory_space<hbm>>
        tpu.enqueue_dma source(%dma_start3A_75 : memref<16x128xi32, #tpu.memory_space<hbm>>) target(%dma_start3A_73 : memref<16x128xi32, #tpu.memory_space<vmem>>) target_semaphore(%run_scoped3A_66 : memref<!tpu.dma_semaphore, #tpu.memory_space<semaphore_mem>>)
        %dma_wait3A = arith.constant 0 : i32
        %dma_wait3A_76 = arith.constant 0 : i32
        %dma_wait3A_77 = tpu.memref_slice %arg10[%dma_wait3A, %dma_wait3A_76] : memref<40x128xi32, #tpu.memory_space<vmem>> -> memref<16x128xi32, #tpu.memory_space<vmem>>
        %dma_wait3A_78 = arith.constant 0 : i32
        %dma_wait3A_79 = tpu.memref_slice %arg4[%add3A_8, %dma_wait3A_78] : memref<2500x128xi32, #tpu.memory_space<hbm>> -> memref<16x128xi32, #tpu.memory_space<hbm>>
        %dma_wait3A_80 = arith.constant 0 : i32
        %dma_wait3A_81 = arith.constant 0 : i32
        %dma_wait3A_82 = tpu.memref_slice %arg10[%dma_wait3A_80, %dma_wait3A_81] : memref<40x128xi32, #tpu.memory_space<vmem>> -> memref<16x128xi32, #tpu.memory_space<vmem>>
        %dma_wait3A_83 = arith.constant 0 : i32
        %dma_wait3A_84 = tpu.memref_slice %arg4[%add3A_8, %dma_wait3A_83] : memref<2500x128xi32, #tpu.memory_space<hbm>> -> memref<16x128xi32, #tpu.memory_space<hbm>>
        tpu.wait_dma2 semaphore(%run_scoped3A_66 : memref<!tpu.dma_semaphore, #tpu.memory_space<semaphore_mem>>) src(%dma_wait3A_84 : memref<16x128xi32, #tpu.memory_space<hbm>>) dst(%dma_wait3A_82 : memref<16x128xi32, #tpu.memory_space<vmem>>)
        tpu.yield
      }) : () -> ()
      %run_scoped3A = arith.constant 16 : i32
      "tpu.region"() ({
        %run_scoped3A_66 = tpu.sem_alloc : memref<!tpu.dma_semaphore, #tpu.memory_space<semaphore_mem>>
        %dma_start3A = arith.constant 0 : i32
        %dma_start3A_67 = tpu.memref_slice %arg9[%run_scoped3A, %dma_start3A] : memref<40x128xi32, #tpu.memory_space<vmem>> -> memref<1x128xi32, #tpu.memory_space<vmem>>
        %dma_start3A_68 = tpu.memref_squeeze %dma_start3A_67 : memref<1x128xi32, #tpu.memory_space<vmem>> -> memref<128xi32, #tpu.memory_space<vmem>>
        %dma_start3A_69 = arith.constant 0 : i32
        %dma_start3A_70 = tpu.memref_slice %arg5[%dma_start3A_69] : memref<512xi32, #tpu.memory_space<hbm>> -> memref<128xi32, #tpu.memory_space<hbm>>
        %dma_start3A_71 = arith.constant 0 : i32
        %dma_start3A_72 = tpu.memref_slice %arg9[%run_scoped3A, %dma_start3A_71] : memref<40x128xi32, #tpu.memory_space<vmem>> -> memref<1x128xi32, #tpu.memory_space<vmem>>
        %dma_start3A_73 = tpu.memref_squeeze %dma_start3A_72 : memref<1x128xi32, #tpu.memory_space<vmem>> -> memref<128xi32, #tpu.memory_space<vmem>>
        %dma_start3A_74 = arith.constant 0 : i32
        %dma_start3A_75 = tpu.memref_slice %arg5[%dma_start3A_74] : memref<512xi32, #tpu.memory_space<hbm>> -> memref<128xi32, #tpu.memory_space<hbm>>
        tpu.enqueue_dma source(%dma_start3A_75 : memref<128xi32, #tpu.memory_space<hbm>>) target(%dma_start3A_73 : memref<128xi32, #tpu.memory_space<vmem>>) target_semaphore(%run_scoped3A_66 : memref<!tpu.dma_semaphore, #tpu.memory_space<semaphore_mem>>)
        %dma_wait3A = arith.constant 0 : i32
        %dma_wait3A_76 = tpu.memref_slice %arg9[%run_scoped3A, %dma_wait3A] : memref<40x128xi32, #tpu.memory_space<vmem>> -> memref<1x128xi32, #tpu.memory_space<vmem>>
        %dma_wait3A_77 = tpu.memref_squeeze %dma_wait3A_76 : memref<1x128xi32, #tpu.memory_space<vmem>> -> memref<128xi32, #tpu.memory_space<vmem>>
        %dma_wait3A_78 = arith.constant 0 : i32
        %dma_wait3A_79 = tpu.memref_slice %arg5[%dma_wait3A_78] : memref<512xi32, #tpu.memory_space<hbm>> -> memref<128xi32, #tpu.memory_space<hbm>>
        %dma_wait3A_80 = arith.constant 0 : i32
        %dma_wait3A_81 = tpu.memref_slice %arg9[%run_scoped3A, %dma_wait3A_80] : memref<40x128xi32, #tpu.memory_space<vmem>> -> memref<1x128xi32, #tpu.memory_space<vmem>>
        %dma_wait3A_82 = tpu.memref_squeeze %dma_wait3A_81 : memref<1x128xi32, #tpu.memory_space<vmem>> -> memref<128xi32, #tpu.memory_space<vmem>>
        %dma_wait3A_83 = arith.constant 0 : i32
        %dma_wait3A_84 = tpu.memref_slice %arg5[%dma_wait3A_83] : memref<512xi32, #tpu.memory_space<hbm>> -> memref<128xi32, #tpu.memory_space<hbm>>
        tpu.wait_dma2 semaphore(%run_scoped3A_66 : memref<!tpu.dma_semaphore, #tpu.memory_space<semaphore_mem>>) src(%dma_wait3A_84 : memref<128xi32, #tpu.memory_space<hbm>>) dst(%dma_wait3A_82 : memref<128xi32, #tpu.memory_space<vmem>>)
        tpu.yield
      }) : () -> ()
      %run_scoped3A_59 = arith.constant 16 : i32
      "tpu.region"() ({
        %run_scoped3A_66 = tpu.sem_alloc : memref<!tpu.dma_semaphore, #tpu.memory_space<semaphore_mem>>
        %dma_start3A = arith.constant 0 : i32
        %dma_start3A_67 = tpu.memref_slice %arg10[%run_scoped3A_59, %dma_start3A] : memref<40x128xi32, #tpu.memory_space<vmem>> -> memref<1x128xi32, #tpu.memory_space<vmem>>
        %dma_start3A_68 = tpu.memref_squeeze %dma_start3A_67 : memref<1x128xi32, #tpu.memory_space<vmem>> -> memref<128xi32, #tpu.memory_space<vmem>>
        %dma_start3A_69 = arith.constant 0 : i32
        %dma_start3A_70 = tpu.memref_slice %arg6[%dma_start3A_69] : memref<512xi32, #tpu.memory_space<hbm>> -> memref<128xi32, #tpu.memory_space<hbm>>
        %dma_start3A_71 = arith.constant 0 : i32
        %dma_start3A_72 = tpu.memref_slice %arg10[%run_scoped3A_59, %dma_start3A_71] : memref<40x128xi32, #tpu.memory_space<vmem>> -> memref<1x128xi32, #tpu.memory_space<vmem>>
        %dma_start3A_73 = tpu.memref_squeeze %dma_start3A_72 : memref<1x128xi32, #tpu.memory_space<vmem>> -> memref<128xi32, #tpu.memory_space<vmem>>
        %dma_start3A_74 = arith.constant 0 : i32
        %dma_start3A_75 = tpu.memref_slice %arg6[%dma_start3A_74] : memref<512xi32, #tpu.memory_space<hbm>> -> memref<128xi32, #tpu.memory_space<hbm>>
        tpu.enqueue_dma source(%dma_start3A_75 : memref<128xi32, #tpu.memory_space<hbm>>) target(%dma_start3A_73 : memref<128xi32, #tpu.memory_space<vmem>>) target_semaphore(%run_scoped3A_66 : memref<!tpu.dma_semaphore, #tpu.memory_space<semaphore_mem>>)
        %dma_wait3A = arith.constant 0 : i32
        %dma_wait3A_76 = tpu.memref_slice %arg10[%run_scoped3A_59, %dma_wait3A] : memref<40x128xi32, #tpu.memory_space<vmem>> -> memref<1x128xi32, #tpu.memory_space<vmem>>
        %dma_wait3A_77 = tpu.memref_squeeze %dma_wait3A_76 : memref<1x128xi32, #tpu.memory_space<vmem>> -> memref<128xi32, #tpu.memory_space<vmem>>
        %dma_wait3A_78 = arith.constant 0 : i32
        %dma_wait3A_79 = tpu.memref_slice %arg6[%dma_wait3A_78] : memref<512xi32, #tpu.memory_space<hbm>> -> memref<128xi32, #tpu.memory_space<hbm>>
        %dma_wait3A_80 = arith.constant 0 : i32
        %dma_wait3A_81 = tpu.memref_slice %arg10[%run_scoped3A_59, %dma_wait3A_80] : memref<40x128xi32, #tpu.memory_space<vmem>> -> memref<1x128xi32, #tpu.memory_space<vmem>>
        %dma_wait3A_82 = tpu.memref_squeeze %dma_wait3A_81 : memref<1x128xi32, #tpu.memory_space<vmem>> -> memref<128xi32, #tpu.memory_space<vmem>>
        %dma_wait3A_83 = arith.constant 0 : i32
        %dma_wait3A_84 = tpu.memref_slice %arg6[%dma_wait3A_83] : memref<512xi32, #tpu.memory_space<hbm>> -> memref<128xi32, #tpu.memory_space<hbm>>
        tpu.wait_dma2 semaphore(%run_scoped3A_66 : memref<!tpu.dma_semaphore, #tpu.memory_space<semaphore_mem>>) src(%dma_wait3A_84 : memref<128xi32, #tpu.memory_space<hbm>>) dst(%dma_wait3A_82 : memref<128xi32, #tpu.memory_space<vmem>>)
        tpu.yield
      }) : () -> ()
      %run_scoped3A_60 = arith.constant 17 : i32
      "tpu.region"() ({
        %run_scoped3A_66 = tpu.sem_alloc : memref<!tpu.dma_semaphore, #tpu.memory_space<semaphore_mem>>
        %dma_start3A = arith.constant 0 : i32
        %dma_start3A_67 = tpu.memref_slice %arg9[%run_scoped3A_60, %dma_start3A] : memref<40x128xi32, #tpu.memory_space<vmem>> -> memref<1x128xi32, #tpu.memory_space<vmem>>
        %dma_start3A_68 = tpu.memref_squeeze %dma_start3A_67 : memref<1x128xi32, #tpu.memory_space<vmem>> -> memref<128xi32, #tpu.memory_space<vmem>>
        %dma_start3A_69 = arith.constant 128 : i32
        %dma_start3A_70 = tpu.memref_slice %arg5[%dma_start3A_69] : memref<512xi32, #tpu.memory_space<hbm>> -> memref<128xi32, #tpu.memory_space<hbm>>
        %dma_start3A_71 = arith.constant 0 : i32
        %dma_start3A_72 = tpu.memref_slice %arg9[%run_scoped3A_60, %dma_start3A_71] : memref<40x128xi32, #tpu.memory_space<vmem>> -> memref<1x128xi32, #tpu.memory_space<vmem>>
        %dma_start3A_73 = tpu.memref_squeeze %dma_start3A_72 : memref<1x128xi32, #tpu.memory_space<vmem>> -> memref<128xi32, #tpu.memory_space<vmem>>
        %dma_start3A_74 = arith.constant 128 : i32
        %dma_start3A_75 = tpu.memref_slice %arg5[%dma_start3A_74] : memref<512xi32, #tpu.memory_space<hbm>> -> memref<128xi32, #tpu.memory_space<hbm>>
        tpu.enqueue_dma source(%dma_start3A_75 : memref<128xi32, #tpu.memory_space<hbm>>) target(%dma_start3A_73 : memref<128xi32, #tpu.memory_space<vmem>>) target_semaphore(%run_scoped3A_66 : memref<!tpu.dma_semaphore, #tpu.memory_space<semaphore_mem>>)
        %dma_wait3A = arith.constant 0 : i32
        %dma_wait3A_76 = tpu.memref_slice %arg9[%run_scoped3A_60, %dma_wait3A] : memref<40x128xi32, #tpu.memory_space<vmem>> -> memref<1x128xi32, #tpu.memory_space<vmem>>
        %dma_wait3A_77 = tpu.memref_squeeze %dma_wait3A_76 : memref<1x128xi32, #tpu.memory_space<vmem>> -> memref<128xi32, #tpu.memory_space<vmem>>
        %dma_wait3A_78 = arith.constant 128 : i32
        %dma_wait3A_79 = tpu.memref_slice %arg5[%dma_wait3A_78] : memref<512xi32, #tpu.memory_space<hbm>> -> memref<128xi32, #tpu.memory_space<hbm>>
        %dma_wait3A_80 = arith.constant 0 : i32
        %dma_wait3A_81 = tpu.memref_slice %arg9[%run_scoped3A_60, %dma_wait3A_80] : memref<40x128xi32, #tpu.memory_space<vmem>> -> memref<1x128xi32, #tpu.memory_space<vmem>>
        %dma_wait3A_82 = tpu.memref_squeeze %dma_wait3A_81 : memref<1x128xi32, #tpu.memory_space<vmem>> -> memref<128xi32, #tpu.memory_space<vmem>>
        %dma_wait3A_83 = arith.constant 128 : i32
        %dma_wait3A_84 = tpu.memref_slice %arg5[%dma_wait3A_83] : memref<512xi32, #tpu.memory_space<hbm>> -> memref<128xi32, #tpu.memory_space<hbm>>
        tpu.wait_dma2 semaphore(%run_scoped3A_66 : memref<!tpu.dma_semaphore, #tpu.memory_space<semaphore_mem>>) src(%dma_wait3A_84 : memref<128xi32, #tpu.memory_space<hbm>>) dst(%dma_wait3A_82 : memref<128xi32, #tpu.memory_space<vmem>>)
        tpu.yield
      }) : () -> ()
      %run_scoped3A_61 = arith.constant 17 : i32
      "tpu.region"() ({
        %run_scoped3A_66 = tpu.sem_alloc : memref<!tpu.dma_semaphore, #tpu.memory_space<semaphore_mem>>
        %dma_start3A = arith.constant 0 : i32
        %dma_start3A_67 = tpu.memref_slice %arg10[%run_scoped3A_61, %dma_start3A] : memref<40x128xi32, #tpu.memory_space<vmem>> -> memref<1x128xi32, #tpu.memory_space<vmem>>
        %dma_start3A_68 = tpu.memref_squeeze %dma_start3A_67 : memref<1x128xi32, #tpu.memory_space<vmem>> -> memref<128xi32, #tpu.memory_space<vmem>>
        %dma_start3A_69 = arith.constant 128 : i32
        %dma_start3A_70 = tpu.memref_slice %arg6[%dma_start3A_69] : memref<512xi32, #tpu.memory_space<hbm>> -> memref<128xi32, #tpu.memory_space<hbm>>
        %dma_start3A_71 = arith.constant 0 : i32
        %dma_start3A_72 = tpu.memref_slice %arg10[%run_scoped3A_61, %dma_start3A_71] : memref<40x128xi32, #tpu.memory_space<vmem>> -> memref<1x128xi32, #tpu.memory_space<vmem>>
        %dma_start3A_73 = tpu.memref_squeeze %dma_start3A_72 : memref<1x128xi32, #tpu.memory_space<vmem>> -> memref<128xi32, #tpu.memory_space<vmem>>
        %dma_start3A_74 = arith.constant 128 : i32
        %dma_start3A_75 = tpu.memref_slice %arg6[%dma_start3A_74] : memref<512xi32, #tpu.memory_space<hbm>> -> memref<128xi32, #tpu.memory_space<hbm>>
        tpu.enqueue_dma source(%dma_start3A_75 : memref<128xi32, #tpu.memory_space<hbm>>) target(%dma_start3A_73 : memref<128xi32, #tpu.memory_space<vmem>>) target_semaphore(%run_scoped3A_66 : memref<!tpu.dma_semaphore, #tpu.memory_space<semaphore_mem>>)
        %dma_wait3A = arith.constant 0 : i32
        %dma_wait3A_76 = tpu.memref_slice %arg10[%run_scoped3A_61, %dma_wait3A] : memref<40x128xi32, #tpu.memory_space<vmem>> -> memref<1x128xi32, #tpu.memory_space<vmem>>
        %dma_wait3A_77 = tpu.memref_squeeze %dma_wait3A_76 : memref<1x128xi32, #tpu.memory_space<vmem>> -> memref<128xi32, #tpu.memory_space<vmem>>
        %dma_wait3A_78 = arith.constant 128 : i32
        %dma_wait3A_79 = tpu.memref_slice %arg6[%dma_wait3A_78] : memref<512xi32, #tpu.memory_space<hbm>> -> memref<128xi32, #tpu.memory_space<hbm>>
        %dma_wait3A_80 = arith.constant 0 : i32
        %dma_wait3A_81 = tpu.memref_slice %arg10[%run_scoped3A_61, %dma_wait3A_80] : memref<40x128xi32, #tpu.memory_space<vmem>> -> memref<1x128xi32, #tpu.memory_space<vmem>>
        %dma_wait3A_82 = tpu.memref_squeeze %dma_wait3A_81 : memref<1x128xi32, #tpu.memory_space<vmem>> -> memref<128xi32, #tpu.memory_space<vmem>>
        %dma_wait3A_83 = arith.constant 128 : i32
        %dma_wait3A_84 = tpu.memref_slice %arg6[%dma_wait3A_83] : memref<512xi32, #tpu.memory_space<hbm>> -> memref<128xi32, #tpu.memory_space<hbm>>
        tpu.wait_dma2 semaphore(%run_scoped3A_66 : memref<!tpu.dma_semaphore, #tpu.memory_space<semaphore_mem>>) src(%dma_wait3A_84 : memref<128xi32, #tpu.memory_space<hbm>>) dst(%dma_wait3A_82 : memref<128xi32, #tpu.memory_space<vmem>>)
        tpu.yield
      }) : () -> ()
      %run_scoped3A_62 = arith.constant 18 : i32
      "tpu.region"() ({
        %run_scoped3A_66 = tpu.sem_alloc : memref<!tpu.dma_semaphore, #tpu.memory_space<semaphore_mem>>
        %dma_start3A = arith.constant 0 : i32
        %dma_start3A_67 = tpu.memref_slice %arg9[%run_scoped3A_62, %dma_start3A] : memref<40x128xi32, #tpu.memory_space<vmem>> -> memref<1x128xi32, #tpu.memory_space<vmem>>
        %dma_start3A_68 = tpu.memref_squeeze %dma_start3A_67 : memref<1x128xi32, #tpu.memory_space<vmem>> -> memref<128xi32, #tpu.memory_space<vmem>>
        %dma_start3A_69 = arith.constant 256 : i32
        %dma_start3A_70 = tpu.memref_slice %arg5[%dma_start3A_69] : memref<512xi32, #tpu.memory_space<hbm>> -> memref<128xi32, #tpu.memory_space<hbm>>
        %dma_start3A_71 = arith.constant 0 : i32
        %dma_start3A_72 = tpu.memref_slice %arg9[%run_scoped3A_62, %dma_start3A_71] : memref<40x128xi32, #tpu.memory_space<vmem>> -> memref<1x128xi32, #tpu.memory_space<vmem>>
        %dma_start3A_73 = tpu.memref_squeeze %dma_start3A_72 : memref<1x128xi32, #tpu.memory_space<vmem>> -> memref<128xi32, #tpu.memory_space<vmem>>
        %dma_start3A_74 = arith.constant 256 : i32
        %dma_start3A_75 = tpu.memref_slice %arg5[%dma_start3A_74] : memref<512xi32, #tpu.memory_space<hbm>> -> memref<128xi32, #tpu.memory_space<hbm>>
        tpu.enqueue_dma source(%dma_start3A_75 : memref<128xi32, #tpu.memory_space<hbm>>) target(%dma_start3A_73 : memref<128xi32, #tpu.memory_space<vmem>>) target_semaphore(%run_scoped3A_66 : memref<!tpu.dma_semaphore, #tpu.memory_space<semaphore_mem>>)
        %dma_wait3A = arith.constant 0 : i32
        %dma_wait3A_76 = tpu.memref_slice %arg9[%run_scoped3A_62, %dma_wait3A] : memref<40x128xi32, #tpu.memory_space<vmem>> -> memref<1x128xi32, #tpu.memory_space<vmem>>
        %dma_wait3A_77 = tpu.memref_squeeze %dma_wait3A_76 : memref<1x128xi32, #tpu.memory_space<vmem>> -> memref<128xi32, #tpu.memory_space<vmem>>
        %dma_wait3A_78 = arith.constant 256 : i32
        %dma_wait3A_79 = tpu.memref_slice %arg5[%dma_wait3A_78] : memref<512xi32, #tpu.memory_space<hbm>> -> memref<128xi32, #tpu.memory_space<hbm>>
        %dma_wait3A_80 = arith.constant 0 : i32
        %dma_wait3A_81 = tpu.memref_slice %arg9[%run_scoped3A_62, %dma_wait3A_80] : memref<40x128xi32, #tpu.memory_space<vmem>> -> memref<1x128xi32, #tpu.memory_space<vmem>>
        %dma_wait3A_82 = tpu.memref_squeeze %dma_wait3A_81 : memref<1x128xi32, #tpu.memory_space<vmem>> -> memref<128xi32, #tpu.memory_space<vmem>>
        %dma_wait3A_83 = arith.constant 256 : i32
        %dma_wait3A_84 = tpu.memref_slice %arg5[%dma_wait3A_83] : memref<512xi32, #tpu.memory_space<hbm>> -> memref<128xi32, #tpu.memory_space<hbm>>
        tpu.wait_dma2 semaphore(%run_scoped3A_66 : memref<!tpu.dma_semaphore, #tpu.memory_space<semaphore_mem>>) src(%dma_wait3A_84 : memref<128xi32, #tpu.memory_space<hbm>>) dst(%dma_wait3A_82 : memref<128xi32, #tpu.memory_space<vmem>>)
        tpu.yield
      }) : () -> ()
      %run_scoped3A_63 = arith.constant 18 : i32
      "tpu.region"() ({
        %run_scoped3A_66 = tpu.sem_alloc : memref<!tpu.dma_semaphore, #tpu.memory_space<semaphore_mem>>
        %dma_start3A = arith.constant 0 : i32
        %dma_start3A_67 = tpu.memref_slice %arg10[%run_scoped3A_63, %dma_start3A] : memref<40x128xi32, #tpu.memory_space<vmem>> -> memref<1x128xi32, #tpu.memory_space<vmem>>
        %dma_start3A_68 = tpu.memref_squeeze %dma_start3A_67 : memref<1x128xi32, #tpu.memory_space<vmem>> -> memref<128xi32, #tpu.memory_space<vmem>>
        %dma_start3A_69 = arith.constant 256 : i32
        %dma_start3A_70 = tpu.memref_slice %arg6[%dma_start3A_69] : memref<512xi32, #tpu.memory_space<hbm>> -> memref<128xi32, #tpu.memory_space<hbm>>
        %dma_start3A_71 = arith.constant 0 : i32
        %dma_start3A_72 = tpu.memref_slice %arg10[%run_scoped3A_63, %dma_start3A_71] : memref<40x128xi32, #tpu.memory_space<vmem>> -> memref<1x128xi32, #tpu.memory_space<vmem>>
        %dma_start3A_73 = tpu.memref_squeeze %dma_start3A_72 : memref<1x128xi32, #tpu.memory_space<vmem>> -> memref<128xi32, #tpu.memory_space<vmem>>
        %dma_start3A_74 = arith.constant 256 : i32
        %dma_start3A_75 = tpu.memref_slice %arg6[%dma_start3A_74] : memref<512xi32, #tpu.memory_space<hbm>> -> memref<128xi32, #tpu.memory_space<hbm>>
        tpu.enqueue_dma source(%dma_start3A_75 : memref<128xi32, #tpu.memory_space<hbm>>) target(%dma_start3A_73 : memref<128xi32, #tpu.memory_space<vmem>>) target_semaphore(%run_scoped3A_66 : memref<!tpu.dma_semaphore, #tpu.memory_space<semaphore_mem>>)
        %dma_wait3A = arith.constant 0 : i32
        %dma_wait3A_76 = tpu.memref_slice %arg10[%run_scoped3A_63, %dma_wait3A] : memref<40x128xi32, #tpu.memory_space<vmem>> -> memref<1x128xi32, #tpu.memory_space<vmem>>
        %dma_wait3A_77 = tpu.memref_squeeze %dma_wait3A_76 : memref<1x128xi32, #tpu.memory_space<vmem>> -> memref<128xi32, #tpu.memory_space<vmem>>
        %dma_wait3A_78 = arith.constant 256 : i32
        %dma_wait3A_79 = tpu.memref_slice %arg6[%dma_wait3A_78] : memref<512xi32, #tpu.memory_space<hbm>> -> memref<128xi32, #tpu.memory_space<hbm>>
        %dma_wait3A_80 = arith.constant 0 : i32
        %dma_wait3A_81 = tpu.memref_slice %arg10[%run_scoped3A_63, %dma_wait3A_80] : memref<40x128xi32, #tpu.memory_space<vmem>> -> memref<1x128xi32, #tpu.memory_space<vmem>>
        %dma_wait3A_82 = tpu.memref_squeeze %dma_wait3A_81 : memref<1x128xi32, #tpu.memory_space<vmem>> -> memref<128xi32, #tpu.memory_space<vmem>>
        %dma_wait3A_83 = arith.constant 256 : i32
        %dma_wait3A_84 = tpu.memref_slice %arg6[%dma_wait3A_83] : memref<512xi32, #tpu.memory_space<hbm>> -> memref<128xi32, #tpu.memory_space<hbm>>
        tpu.wait_dma2 semaphore(%run_scoped3A_66 : memref<!tpu.dma_semaphore, #tpu.memory_space<semaphore_mem>>) src(%dma_wait3A_84 : memref<128xi32, #tpu.memory_space<hbm>>) dst(%dma_wait3A_82 : memref<128xi32, #tpu.memory_space<vmem>>)
        tpu.yield
      }) : () -> ()
      %run_scoped3A_64 = arith.constant 19 : i32
      "tpu.region"() ({
        %run_scoped3A_66 = tpu.sem_alloc : memref<!tpu.dma_semaphore, #tpu.memory_space<semaphore_mem>>
        %dma_start3A = arith.constant 0 : i32
        %dma_start3A_67 = tpu.memref_slice %arg9[%run_scoped3A_64, %dma_start3A] : memref<40x128xi32, #tpu.memory_space<vmem>> -> memref<1x128xi32, #tpu.memory_space<vmem>>
        %dma_start3A_68 = tpu.memref_squeeze %dma_start3A_67 : memref<1x128xi32, #tpu.memory_space<vmem>> -> memref<128xi32, #tpu.memory_space<vmem>>
        %dma_start3A_69 = arith.constant 384 : i32
        %dma_start3A_70 = tpu.memref_slice %arg5[%dma_start3A_69] : memref<512xi32, #tpu.memory_space<hbm>> -> memref<128xi32, #tpu.memory_space<hbm>>
        %dma_start3A_71 = arith.constant 0 : i32
        %dma_start3A_72 = tpu.memref_slice %arg9[%run_scoped3A_64, %dma_start3A_71] : memref<40x128xi32, #tpu.memory_space<vmem>> -> memref<1x128xi32, #tpu.memory_space<vmem>>
        %dma_start3A_73 = tpu.memref_squeeze %dma_start3A_72 : memref<1x128xi32, #tpu.memory_space<vmem>> -> memref<128xi32, #tpu.memory_space<vmem>>
        %dma_start3A_74 = arith.constant 384 : i32
        %dma_start3A_75 = tpu.memref_slice %arg5[%dma_start3A_74] : memref<512xi32, #tpu.memory_space<hbm>> -> memref<128xi32, #tpu.memory_space<hbm>>
        tpu.enqueue_dma source(%dma_start3A_75 : memref<128xi32, #tpu.memory_space<hbm>>) target(%dma_start3A_73 : memref<128xi32, #tpu.memory_space<vmem>>) target_semaphore(%run_scoped3A_66 : memref<!tpu.dma_semaphore, #tpu.memory_space<semaphore_mem>>)
        %dma_wait3A = arith.constant 0 : i32
        %dma_wait3A_76 = tpu.memref_slice %arg9[%run_scoped3A_64, %dma_wait3A] : memref<40x128xi32, #tpu.memory_space<vmem>> -> memref<1x128xi32, #tpu.memory_space<vmem>>
        %dma_wait3A_77 = tpu.memref_squeeze %dma_wait3A_76 : memref<1x128xi32, #tpu.memory_space<vmem>> -> memref<128xi32, #tpu.memory_space<vmem>>
        %dma_wait3A_78 = arith.constant 384 : i32
        %dma_wait3A_79 = tpu.memref_slice %arg5[%dma_wait3A_78] : memref<512xi32, #tpu.memory_space<hbm>> -> memref<128xi32, #tpu.memory_space<hbm>>
        %dma_wait3A_80 = arith.constant 0 : i32
        %dma_wait3A_81 = tpu.memref_slice %arg9[%run_scoped3A_64, %dma_wait3A_80] : memref<40x128xi32, #tpu.memory_space<vmem>> -> memref<1x128xi32, #tpu.memory_space<vmem>>
        %dma_wait3A_82 = tpu.memref_squeeze %dma_wait3A_81 : memref<1x128xi32, #tpu.memory_space<vmem>> -> memref<128xi32, #tpu.memory_space<vmem>>
        %dma_wait3A_83 = arith.constant 384 : i32
        %dma_wait3A_84 = tpu.memref_slice %arg5[%dma_wait3A_83] : memref<512xi32, #tpu.memory_space<hbm>> -> memref<128xi32, #tpu.memory_space<hbm>>
        tpu.wait_dma2 semaphore(%run_scoped3A_66 : memref<!tpu.dma_semaphore, #tpu.memory_space<semaphore_mem>>) src(%dma_wait3A_84 : memref<128xi32, #tpu.memory_space<hbm>>) dst(%dma_wait3A_82 : memref<128xi32, #tpu.memory_space<vmem>>)
        tpu.yield
      }) : () -> ()
      %run_scoped3A_65 = arith.constant 19 : i32
      "tpu.region"() ({
        %run_scoped3A_66 = tpu.sem_alloc : memref<!tpu.dma_semaphore, #tpu.memory_space<semaphore_mem>>
        %dma_start3A = arith.constant 0 : i32
        %dma_start3A_67 = tpu.memref_slice %arg10[%run_scoped3A_65, %dma_start3A] : memref<40x128xi32, #tpu.memory_space<vmem>> -> memref<1x128xi32, #tpu.memory_space<vmem>>
        %dma_start3A_68 = tpu.memref_squeeze %dma_start3A_67 : memref<1x128xi32, #tpu.memory_space<vmem>> -> memref<128xi32, #tpu.memory_space<vmem>>
        %dma_start3A_69 = arith.constant 384 : i32
        %dma_start3A_70 = tpu.memref_slice %arg6[%dma_start3A_69] : memref<512xi32, #tpu.memory_space<hbm>> -> memref<128xi32, #tpu.memory_space<hbm>>
        %dma_start3A_71 = arith.constant 0 : i32
        %dma_start3A_72 = tpu.memref_slice %arg10[%run_scoped3A_65, %dma_start3A_71] : memref<40x128xi32, #tpu.memory_space<vmem>> -> memref<1x128xi32, #tpu.memory_space<vmem>>
        %dma_start3A_73 = tpu.memref_squeeze %dma_start3A_72 : memref<1x128xi32, #tpu.memory_space<vmem>> -> memref<128xi32, #tpu.memory_space<vmem>>
        %dma_start3A_74 = arith.constant 384 : i32
        %dma_start3A_75 = tpu.memref_slice %arg6[%dma_start3A_74] : memref<512xi32, #tpu.memory_space<hbm>> -> memref<128xi32, #tpu.memory_space<hbm>>
        tpu.enqueue_dma source(%dma_start3A_75 : memref<128xi32, #tpu.memory_space<hbm>>) target(%dma_start3A_73 : memref<128xi32, #tpu.memory_space<vmem>>) target_semaphore(%run_scoped3A_66 : memref<!tpu.dma_semaphore, #tpu.memory_space<semaphore_mem>>)
        %dma_wait3A = arith.constant 0 : i32
        %dma_wait3A_76 = tpu.memref_slice %arg10[%run_scoped3A_65, %dma_wait3A] : memref<40x128xi32, #tpu.memory_space<vmem>> -> memref<1x128xi32, #tpu.memory_space<vmem>>
        %dma_wait3A_77 = tpu.memref_squeeze %dma_wait3A_76 : memref<1x128xi32, #tpu.memory_space<vmem>> -> memref<128xi32, #tpu.memory_space<vmem>>
        %dma_wait3A_78 = arith.constant 384 : i32
        %dma_wait3A_79 = tpu.memref_slice %arg6[%dma_wait3A_78] : memref<512xi32, #tpu.memory_space<hbm>> -> memref<128xi32, #tpu.memory_space<hbm>>
        %dma_wait3A_80 = arith.constant 0 : i32
        %dma_wait3A_81 = tpu.memref_slice %arg10[%run_scoped3A_65, %dma_wait3A_80] : memref<40x128xi32, #tpu.memory_space<vmem>> -> memref<1x128xi32, #tpu.memory_space<vmem>>
        %dma_wait3A_82 = tpu.memref_squeeze %dma_wait3A_81 : memref<1x128xi32, #tpu.memory_space<vmem>> -> memref<128xi32, #tpu.memory_space<vmem>>
        %dma_wait3A_83 = arith.constant 384 : i32
        %dma_wait3A_84 = tpu.memref_slice %arg6[%dma_wait3A_83] : memref<512xi32, #tpu.memory_space<hbm>> -> memref<128xi32, #tpu.memory_space<hbm>>
        tpu.wait_dma2 semaphore(%run_scoped3A_66 : memref<!tpu.dma_semaphore, #tpu.memory_space<semaphore_mem>>) src(%dma_wait3A_84 : memref<128xi32, #tpu.memory_space<hbm>>) dst(%dma_wait3A_82 : memref<128xi32, #tpu.memory_space<vmem>>)
        tpu.yield
      }) : () -> ()
    } else {
    }
    %gt3A = arith.constant 0 : i32
    %gt3A_14 = arith.cmpi sgt, %select_n3A, %gt3A : i32
    %convert_element_type3A_15 = arith.extui %gt3A_14 : i1 to i32
    %cond3A_16 = arith.constant 0 : i32
    %cond3A_17 = arith.cmpi ne, %convert_element_type3A_15, %cond3A_16 : i32
    scf.if %cond3A_17 {
      %dma_start3A = arith.constant 0 : i32
      %dma_start3A_59 = arith.constant 0 : i32
      %dma_start3A_60 = tpu.memref_slice %arg9[%dma_start3A, %dma_start3A_59] : memref<40x128xi32, #tpu.memory_space<vmem>> -> memref<1x128xi32, #tpu.memory_space<vmem>>
      %dma_start3A_61 = tpu.memref_squeeze %dma_start3A_60 : memref<1x128xi32, #tpu.memory_space<vmem>> -> memref<128xi32, #tpu.memory_space<vmem>>
      %dma_start3A_62 = arith.constant 0 : i32
      %dma_start3A_63 = arith.constant 0 : i32
      %dma_start3A_64 = tpu.memref_slice %arg2[%dma_start3A_62, %dma_start3A_63] : memref<10000x128xf32, #tpu.memory_space<hbm>> -> memref<10000x128xf32, #tpu.memory_space<hbm>>
      tpu.enqueue_indirect_dma source(%dma_start3A_64 : memref<10000x128xf32, #tpu.memory_space<hbm>>) target(%arg11 : memref<128x128xf32, #tpu.memory_space<vmem>>) offsets(%dma_start3A_61 : memref<128xi32, #tpu.memory_space<vmem>>) semaphore(%arg13 : memref<!tpu.dma_semaphore, #tpu.memory_space<semaphore_mem>>)
      %dma_start3A_65 = arith.constant 1 : i32
      %dma_start3A_66 = arith.constant 0 : i32
      %dma_start3A_67 = tpu.memref_slice %arg9[%dma_start3A_65, %dma_start3A_66] : memref<40x128xi32, #tpu.memory_space<vmem>> -> memref<1x128xi32, #tpu.memory_space<vmem>>
      %dma_start3A_68 = tpu.memref_squeeze %dma_start3A_67 : memref<1x128xi32, #tpu.memory_space<vmem>> -> memref<128xi32, #tpu.memory_space<vmem>>
      %dma_start3A_69 = arith.constant 0 : i32
      %dma_start3A_70 = arith.constant 0 : i32
      %dma_start3A_71 = tpu.memref_slice %arg2[%dma_start3A_69, %dma_start3A_70] : memref<10000x128xf32, #tpu.memory_space<hbm>> -> memref<10000x128xf32, #tpu.memory_space<hbm>>
      tpu.enqueue_indirect_dma source(%dma_start3A_71 : memref<10000x128xf32, #tpu.memory_space<hbm>>) target(%arg12 : memref<128x128xf32, #tpu.memory_space<vmem>>) offsets(%dma_start3A_68 : memref<128xi32, #tpu.memory_space<vmem>>) semaphore(%arg14 : memref<!tpu.dma_semaphore, #tpu.memory_space<semaphore_mem>>)
    } else {
    }
    %lt3A = arith.constant 15 : i32
    %lt3A_18 = arith.cmpi slt, %arg1, %lt3A : i32
    %convert_element_type3A_19 = arith.extui %lt3A_18 : i1 to i32
    %cond3A_20 = arith.constant 0 : i32
    %cond3A_21 = arith.cmpi ne, %convert_element_type3A_19, %cond3A_20 : i32
    scf.if %cond3A_21 {
      "tpu.region"() ({
        %run_scoped3A = tpu.sem_alloc : memref<!tpu.dma_semaphore, #tpu.memory_space<semaphore_mem>>
        %dma_start3A = arith.constant 0 : i32
        %dma_start3A_59 = tpu.memref_slice %arg8[%mul3A_2, %dma_start3A] : memref<10112x128xf32, #tpu.memory_space<vmem_shared>> -> memref<632x128xf32, #tpu.memory_space<vmem_shared>>
        %dma_start3A_60 = arith.constant 0 : i32
        %dma_start3A_61 = tpu.memref_slice %arg2[%mul3A_2, %dma_start3A_60] : memref<10000x128xf32, #tpu.memory_space<hbm>> -> memref<632x128xf32, #tpu.memory_space<hbm>>
        tpu.enqueue_dma source(%dma_start3A_61 : memref<632x128xf32, #tpu.memory_space<hbm>>) target(%dma_start3A_59 : memref<632x128xf32, #tpu.memory_space<vmem_shared>>) target_semaphore(%run_scoped3A : memref<!tpu.dma_semaphore, #tpu.memory_space<semaphore_mem>>)
        %dma_wait3A = arith.constant 0 : i32
        %dma_wait3A_62 = tpu.memref_slice %arg8[%mul3A_2, %dma_wait3A] : memref<10112x128xf32, #tpu.memory_space<vmem_shared>> -> memref<632x128xf32, #tpu.memory_space<vmem_shared>>
        %dma_wait3A_63 = arith.constant 0 : i32
        %dma_wait3A_64 = tpu.memref_slice %arg2[%mul3A_2, %dma_wait3A_63] : memref<10000x128xf32, #tpu.memory_space<hbm>> -> memref<632x128xf32, #tpu.memory_space<hbm>>
        tpu.wait_dma2 semaphore(%run_scoped3A : memref<!tpu.dma_semaphore, #tpu.memory_space<semaphore_mem>>) src(%dma_wait3A_64 : memref<632x128xf32, #tpu.memory_space<hbm>>) dst(%dma_wait3A_62 : memref<632x128xf32, #tpu.memory_space<vmem_shared>>)
        tpu.yield
      }) : () -> ()
    } else {
    }
    %eq3A_22 = arith.constant 15 : i32
    %eq3A_23 = arith.cmpi eq, %arg1, %eq3A_22 : i32
    %convert_element_type3A_24 = arith.extui %eq3A_23 : i1 to i32
    %cond3A_25 = arith.constant 0 : i32
    %cond3A_26 = arith.cmpi ne, %convert_element_type3A_24, %cond3A_25 : i32
    scf.if %cond3A_26 {
      "tpu.region"() ({
        %run_scoped3A = tpu.sem_alloc : memref<!tpu.dma_semaphore, #tpu.memory_space<semaphore_mem>>
        %dma_start3A = arith.constant 0 : i32
        %dma_start3A_59 = tpu.memref_slice %arg8[%mul3A_2, %dma_start3A] : memref<10112x128xf32, #tpu.memory_space<vmem_shared>> -> memref<520x128xf32, #tpu.memory_space<vmem_shared>>
        %dma_start3A_60 = arith.constant 0 : i32
        %dma_start3A_61 = tpu.memref_slice %arg2[%mul3A_2, %dma_start3A_60] : memref<10000x128xf32, #tpu.memory_space<hbm>> -> memref<520x128xf32, #tpu.memory_space<hbm>>
        tpu.enqueue_dma source(%dma_start3A_61 : memref<520x128xf32, #tpu.memory_space<hbm>>) target(%dma_start3A_59 : memref<520x128xf32, #tpu.memory_space<vmem_shared>>) target_semaphore(%run_scoped3A : memref<!tpu.dma_semaphore, #tpu.memory_space<semaphore_mem>>)
        %dma_wait3A = arith.constant 0 : i32
        %dma_wait3A_62 = tpu.memref_slice %arg8[%mul3A_2, %dma_wait3A] : memref<10112x128xf32, #tpu.memory_space<vmem_shared>> -> memref<520x128xf32, #tpu.memory_space<vmem_shared>>
        %dma_wait3A_63 = arith.constant 0 : i32
        %dma_wait3A_64 = tpu.memref_slice %arg2[%mul3A_2, %dma_wait3A_63] : memref<10000x128xf32, #tpu.memory_space<hbm>> -> memref<520x128xf32, #tpu.memory_space<hbm>>
        tpu.wait_dma2 semaphore(%run_scoped3A : memref<!tpu.dma_semaphore, #tpu.memory_space<semaphore_mem>>) src(%dma_wait3A_64 : memref<520x128xf32, #tpu.memory_space<hbm>>) dst(%dma_wait3A_62 : memref<520x128xf32, #tpu.memory_space<vmem_shared>>)
        tpu.yield
      }) : () -> ()
    } else {
    }
    %barrier3A = arith.constant 0 : index
    tpu.barrier barrier_id(%barrier3A)
    %scan3A = arith.constant 0 : i32
    %scan3A_27 = arith.constant 0 : i32
    %scan3A_28 = arith.constant 20 : i32
    %scan3A_29 = arith.addi %scan3A_27, %scan3A_28 : i32
    %scan3A_30 = arith.constant 1 : i32
    scf.for %scan3A_59 = %scan3A_27 to %scan3A_29 step %scan3A_30  : i32 {
      %mul3A_60 = arith.constant 2 : i32
      %mul3A_61 = arith.muli %scan3A_59, %mul3A_60 : i32
      %add3A_62 = arith.constant 0 : i32
      %add3A_63 = arith.addi %mul3A_61, %add3A_62 : i32
      %lt3A_64 = arith.cmpi slt, %add3A_63, %select_n3A : i32
      %convert_element_type3A_65 = arith.extui %lt3A_64 : i1 to i32
      %cond3A_66 = arith.constant 0 : i32
      %cond3A_67 = arith.cmpi ne, %convert_element_type3A_65, %cond3A_66 : i32
      scf.if %cond3A_67 {
        %dma_wait3A = arith.constant 0 : i32
        %dma_wait3A_76 = tpu.memref_slice %arg9[%add3A_63, %dma_wait3A] : memref<40x128xi32, #tpu.memory_space<vmem>> -> memref<1x128xi32, #tpu.memory_space<vmem>>
        %dma_wait3A_77 = tpu.memref_squeeze %dma_wait3A_76 : memref<1x128xi32, #tpu.memory_space<vmem>> -> memref<128xi32, #tpu.memory_space<vmem>>
        %dma_wait3A_78 = arith.constant 0 : i32
        %dma_wait3A_79 = arith.constant 0 : i32
        %dma_wait3A_80 = tpu.memref_slice %arg2[%dma_wait3A_78, %dma_wait3A_79] : memref<10000x128xf32, #tpu.memory_space<hbm>> -> memref<10000x128xf32, #tpu.memory_space<hbm>>
        tpu.wait_indirect_dma semaphore(%arg13 : memref<!tpu.dma_semaphore, #tpu.memory_space<semaphore_mem>>) src(%dma_wait3A_80 : memref<10000x128xf32, #tpu.memory_space<hbm>>) dst(%arg11 : memref<128x128xf32, #tpu.memory_space<vmem>>)
        %dma_start3A = arith.constant 0 : i32
        %dma_start3A_81 = tpu.memref_slice %arg10[%add3A_63, %dma_start3A] : memref<40x128xi32, #tpu.memory_space<vmem>> -> memref<1x128xi32, #tpu.memory_space<vmem>>
        %dma_start3A_82 = tpu.memref_squeeze %dma_start3A_81 : memref<1x128xi32, #tpu.memory_space<vmem>> -> memref<128xi32, #tpu.memory_space<vmem>>
        %dma_start3A_83 = arith.constant 0 : i32
        %dma_start3A_84 = arith.constant 0 : i32
        %dma_start3A_85 = tpu.memref_slice %arg8[%dma_start3A_83, %dma_start3A_84] : memref<10112x128xf32, #tpu.memory_space<vmem_shared>> -> memref<10112x128xf32, #tpu.memory_space<vmem_shared>>
        tpu.enqueue_indirect_dma source(%arg11 : memref<128x128xf32, #tpu.memory_space<vmem>>) target(%dma_start3A_85 : memref<10112x128xf32, #tpu.memory_space<vmem_shared>>) offsets(%dma_start3A_82 : memref<128xi32, #tpu.memory_space<vmem>>) semaphore(%arg15 : memref<!tpu.dma_semaphore, #tpu.memory_space<semaphore_mem>>) {add = true}
        %dma_wait3A_86 = arith.constant 0 : i32
        %dma_wait3A_87 = tpu.memref_slice %arg10[%add3A_63, %dma_wait3A_86] : memref<40x128xi32, #tpu.memory_space<vmem>> -> memref<1x128xi32, #tpu.memory_space<vmem>>
        %dma_wait3A_88 = tpu.memref_squeeze %dma_wait3A_87 : memref<1x128xi32, #tpu.memory_space<vmem>> -> memref<128xi32, #tpu.memory_space<vmem>>
        %dma_wait3A_89 = arith.constant 0 : i32
        %dma_wait3A_90 = arith.constant 0 : i32
        %dma_wait3A_91 = tpu.memref_slice %arg8[%dma_wait3A_89, %dma_wait3A_90] : memref<10112x128xf32, #tpu.memory_space<vmem_shared>> -> memref<10112x128xf32, #tpu.memory_space<vmem_shared>>
        tpu.wait_indirect_dma semaphore(%arg15 : memref<!tpu.dma_semaphore, #tpu.memory_space<semaphore_mem>>) src(%arg11 : memref<128x128xf32, #tpu.memory_space<vmem>>) dst(%dma_wait3A_91 : memref<10112x128xf32, #tpu.memory_space<vmem_shared>>)
        %add3A_92 = arith.constant 2 : i32
        %add3A_93 = arith.addi %add3A_63, %add3A_92 : i32
        %lt3A_94 = arith.cmpi slt, %add3A_93, %select_n3A : i32
        %convert_element_type3A_95 = arith.extui %lt3A_94 : i1 to i32
        %cond3A_96 = arith.constant 0 : i32
        %cond3A_97 = arith.cmpi ne, %convert_element_type3A_95, %cond3A_96 : i32
        scf.if %cond3A_97 {
          %add3A_98 = arith.constant 2 : i32
          %add3A_99 = arith.addi %add3A_63, %add3A_98 : i32
          %dma_start3A_100 = arith.constant 0 : i32
          %dma_start3A_101 = tpu.memref_slice %arg9[%add3A_99, %dma_start3A_100] : memref<40x128xi32, #tpu.memory_space<vmem>> -> memref<1x128xi32, #tpu.memory_space<vmem>>
          %dma_start3A_102 = tpu.memref_squeeze %dma_start3A_101 : memref<1x128xi32, #tpu.memory_space<vmem>> -> memref<128xi32, #tpu.memory_space<vmem>>
          %dma_start3A_103 = arith.constant 0 : i32
          %dma_start3A_104 = arith.constant 0 : i32
          %dma_start3A_105 = tpu.memref_slice %arg2[%dma_start3A_103, %dma_start3A_104] : memref<10000x128xf32, #tpu.memory_space<hbm>> -> memref<10000x128xf32, #tpu.memory_space<hbm>>
          tpu.enqueue_indirect_dma source(%dma_start3A_105 : memref<10000x128xf32, #tpu.memory_space<hbm>>) target(%arg11 : memref<128x128xf32, #tpu.memory_space<vmem>>) offsets(%dma_start3A_102 : memref<128xi32, #tpu.memory_space<vmem>>) semaphore(%arg13 : memref<!tpu.dma_semaphore, #tpu.memory_space<semaphore_mem>>)
        } else {
        }
      } else {
      }
      %mul3A_68 = arith.constant 2 : i32
      %mul3A_69 = arith.muli %scan3A_59, %mul3A_68 : i32
      %add3A_70 = arith.constant 1 : i32
      %add3A_71 = arith.addi %mul3A_69, %add3A_70 : i32
      %lt3A_72 = arith.cmpi slt, %add3A_71, %select_n3A : i32
      %convert_element_type3A_73 = arith.extui %lt3A_72 : i1 to i32
      %cond3A_74 = arith.constant 0 : i32
      %cond3A_75 = arith.cmpi ne, %convert_element_type3A_73, %cond3A_74 : i32
      scf.if %cond3A_75 {
        %dma_wait3A = arith.constant 0 : i32
        %dma_wait3A_76 = tpu.memref_slice %arg9[%add3A_71, %dma_wait3A] : memref<40x128xi32, #tpu.memory_space<vmem>> -> memref<1x128xi32, #tpu.memory_space<vmem>>
        %dma_wait3A_77 = tpu.memref_squeeze %dma_wait3A_76 : memref<1x128xi32, #tpu.memory_space<vmem>> -> memref<128xi32, #tpu.memory_space<vmem>>
        %dma_wait3A_78 = arith.constant 0 : i32
        %dma_wait3A_79 = arith.constant 0 : i32
        %dma_wait3A_80 = tpu.memref_slice %arg2[%dma_wait3A_78, %dma_wait3A_79] : memref<10000x128xf32, #tpu.memory_space<hbm>> -> memref<10000x128xf32, #tpu.memory_space<hbm>>
        tpu.wait_indirect_dma semaphore(%arg14 : memref<!tpu.dma_semaphore, #tpu.memory_space<semaphore_mem>>) src(%dma_wait3A_80 : memref<10000x128xf32, #tpu.memory_space<hbm>>) dst(%arg12 : memref<128x128xf32, #tpu.memory_space<vmem>>)
        %dma_start3A = arith.constant 0 : i32
        %dma_start3A_81 = tpu.memref_slice %arg10[%add3A_71, %dma_start3A] : memref<40x128xi32, #tpu.memory_space<vmem>> -> memref<1x128xi32, #tpu.memory_space<vmem>>
        %dma_start3A_82 = tpu.memref_squeeze %dma_start3A_81 : memref<1x128xi32, #tpu.memory_space<vmem>> -> memref<128xi32, #tpu.memory_space<vmem>>
        %dma_start3A_83 = arith.constant 0 : i32
        %dma_start3A_84 = arith.constant 0 : i32
        %dma_start3A_85 = tpu.memref_slice %arg8[%dma_start3A_83, %dma_start3A_84] : memref<10112x128xf32, #tpu.memory_space<vmem_shared>> -> memref<10112x128xf32, #tpu.memory_space<vmem_shared>>
        tpu.enqueue_indirect_dma source(%arg12 : memref<128x128xf32, #tpu.memory_space<vmem>>) target(%dma_start3A_85 : memref<10112x128xf32, #tpu.memory_space<vmem_shared>>) offsets(%dma_start3A_82 : memref<128xi32, #tpu.memory_space<vmem>>) semaphore(%arg16 : memref<!tpu.dma_semaphore, #tpu.memory_space<semaphore_mem>>) {add = true}
        %dma_wait3A_86 = arith.constant 0 : i32
        %dma_wait3A_87 = tpu.memref_slice %arg10[%add3A_71, %dma_wait3A_86] : memref<40x128xi32, #tpu.memory_space<vmem>> -> memref<1x128xi32, #tpu.memory_space<vmem>>
        %dma_wait3A_88 = tpu.memref_squeeze %dma_wait3A_87 : memref<1x128xi32, #tpu.memory_space<vmem>> -> memref<128xi32, #tpu.memory_space<vmem>>
        %dma_wait3A_89 = arith.constant 0 : i32
        %dma_wait3A_90 = arith.constant 0 : i32
        %dma_wait3A_91 = tpu.memref_slice %arg8[%dma_wait3A_89, %dma_wait3A_90] : memref<10112x128xf32, #tpu.memory_space<vmem_shared>> -> memref<10112x128xf32, #tpu.memory_space<vmem_shared>>
        tpu.wait_indirect_dma semaphore(%arg16 : memref<!tpu.dma_semaphore, #tpu.memory_space<semaphore_mem>>) src(%arg12 : memref<128x128xf32, #tpu.memory_space<vmem>>) dst(%dma_wait3A_91 : memref<10112x128xf32, #tpu.memory_space<vmem_shared>>)
        %add3A_92 = arith.constant 2 : i32
        %add3A_93 = arith.addi %add3A_71, %add3A_92 : i32
        %lt3A_94 = arith.cmpi slt, %add3A_93, %select_n3A : i32
        %convert_element_type3A_95 = arith.extui %lt3A_94 : i1 to i32
        %cond3A_96 = arith.constant 0 : i32
        %cond3A_97 = arith.cmpi ne, %convert_element_type3A_95, %cond3A_96 : i32
        scf.if %cond3A_97 {
          %add3A_98 = arith.constant 2 : i32
          %add3A_99 = arith.addi %add3A_71, %add3A_98 : i32
          %dma_start3A_100 = arith.constant 0 : i32
          %dma_start3A_101 = tpu.memref_slice %arg9[%add3A_99, %dma_start3A_100] : memref<40x128xi32, #tpu.memory_space<vmem>> -> memref<1x128xi32, #tpu.memory_space<vmem>>
          %dma_start3A_102 = tpu.memref_squeeze %dma_start3A_101 : memref<1x128xi32, #tpu.memory_space<vmem>> -> memref<128xi32, #tpu.memory_space<vmem>>
          %dma_start3A_103 = arith.constant 0 : i32
          %dma_start3A_104 = arith.constant 0 : i32
          %dma_start3A_105 = tpu.memref_slice %arg2[%dma_start3A_103, %dma_start3A_104] : memref<10000x128xf32, #tpu.memory_space<hbm>> -> memref<10000x128xf32, #tpu.memory_space<hbm>>
          tpu.enqueue_indirect_dma source(%dma_start3A_105 : memref<10000x128xf32, #tpu.memory_space<hbm>>) target(%arg12 : memref<128x128xf32, #tpu.memory_space<vmem>>) offsets(%dma_start3A_102 : memref<128xi32, #tpu.memory_space<vmem>>) semaphore(%arg14 : memref<!tpu.dma_semaphore, #tpu.memory_space<semaphore_mem>>)
        } else {
        }
      } else {
      }
    }
    %scan3A_31 = arith.constant 20 : i32
    %mul3A_32 = arith.constant 80 : i32
    %mul3A_33 = arith.muli %add3A, %mul3A_32 : i32
    %add3A_34 = arith.constant 40 : i32
    %add3A_35 = arith.addi %mul3A_33, %add3A_34 : i32
    %not3A_36 = arith.constant true
    %not3A_37 = arith.xori %eq3A_3, %not3A_36 : i1
    %convert_element_type3A_38 = arith.extui %not3A_37 : i1 to i32
    %cond3A_39 = arith.constant 0 : i32
    %cond3A_40 = arith.cmpi ne, %convert_element_type3A_38, %cond3A_39 : i32
    scf.if %cond3A_40 {
      "tpu.region"() ({
        %run_scoped3A = tpu.sem_alloc : memref<!tpu.dma_semaphore, #tpu.memory_space<semaphore_mem>>
        %dma_start3A = arith.constant 0 : i32
        %dma_start3A_59 = tpu.memref_slice %arg3[%add3A_35, %dma_start3A] : memref<2500x128xi32, #tpu.memory_space<hbm>> -> memref<40x128xi32, #tpu.memory_space<hbm>>
        %dma_start3A_60 = arith.constant 0 : i32
        %dma_start3A_61 = tpu.memref_slice %arg3[%add3A_35, %dma_start3A_60] : memref<2500x128xi32, #tpu.memory_space<hbm>> -> memref<40x128xi32, #tpu.memory_space<hbm>>
        tpu.enqueue_dma source(%dma_start3A_61 : memref<40x128xi32, #tpu.memory_space<hbm>>) target(%arg9 : memref<40x128xi32, #tpu.memory_space<vmem>>) target_semaphore(%run_scoped3A : memref<!tpu.dma_semaphore, #tpu.memory_space<semaphore_mem>>)
        %dma_wait3A = arith.constant 0 : i32
        %dma_wait3A_62 = tpu.memref_slice %arg3[%add3A_35, %dma_wait3A] : memref<2500x128xi32, #tpu.memory_space<hbm>> -> memref<40x128xi32, #tpu.memory_space<hbm>>
        %dma_wait3A_63 = arith.constant 0 : i32
        %dma_wait3A_64 = tpu.memref_slice %arg3[%add3A_35, %dma_wait3A_63] : memref<2500x128xi32, #tpu.memory_space<hbm>> -> memref<40x128xi32, #tpu.memory_space<hbm>>
        tpu.wait_dma2 semaphore(%run_scoped3A : memref<!tpu.dma_semaphore, #tpu.memory_space<semaphore_mem>>) src(%dma_wait3A_64 : memref<40x128xi32, #tpu.memory_space<hbm>>) dst(%arg9 : memref<40x128xi32, #tpu.memory_space<vmem>>)
        tpu.yield
      }) : () -> ()
      "tpu.region"() ({
        %run_scoped3A = tpu.sem_alloc : memref<!tpu.dma_semaphore, #tpu.memory_space<semaphore_mem>>
        %dma_start3A = arith.constant 0 : i32
        %dma_start3A_59 = tpu.memref_slice %arg4[%add3A_35, %dma_start3A] : memref<2500x128xi32, #tpu.memory_space<hbm>> -> memref<40x128xi32, #tpu.memory_space<hbm>>
        %dma_start3A_60 = arith.constant 0 : i32
        %dma_start3A_61 = tpu.memref_slice %arg4[%add3A_35, %dma_start3A_60] : memref<2500x128xi32, #tpu.memory_space<hbm>> -> memref<40x128xi32, #tpu.memory_space<hbm>>
        tpu.enqueue_dma source(%dma_start3A_61 : memref<40x128xi32, #tpu.memory_space<hbm>>) target(%arg10 : memref<40x128xi32, #tpu.memory_space<vmem>>) target_semaphore(%run_scoped3A : memref<!tpu.dma_semaphore, #tpu.memory_space<semaphore_mem>>)
        %dma_wait3A = arith.constant 0 : i32
        %dma_wait3A_62 = tpu.memref_slice %arg4[%add3A_35, %dma_wait3A] : memref<2500x128xi32, #tpu.memory_space<hbm>> -> memref<40x128xi32, #tpu.memory_space<hbm>>
        %dma_wait3A_63 = arith.constant 0 : i32
        %dma_wait3A_64 = tpu.memref_slice %arg4[%add3A_35, %dma_wait3A_63] : memref<2500x128xi32, #tpu.memory_space<hbm>> -> memref<40x128xi32, #tpu.memory_space<hbm>>
        tpu.wait_dma2 semaphore(%run_scoped3A : memref<!tpu.dma_semaphore, #tpu.memory_space<semaphore_mem>>) src(%dma_wait3A_64 : memref<40x128xi32, #tpu.memory_space<hbm>>) dst(%arg10 : memref<40x128xi32, #tpu.memory_space<vmem>>)
        tpu.yield
      }) : () -> ()
    } else {
    }
    %jit3A_41 = arith.constant 0 : i32
    %jit3A_42 = arith.constant 40 : i32
    %select_n3A_43 = arith.select %eq3A_3, %jit3A_41, %jit3A_42 : i32
    %gt3A_44 = arith.constant 0 : i32
    %gt3A_45 = arith.cmpi sgt, %select_n3A_43, %gt3A_44 : i32
    %convert_element_type3A_46 = arith.extui %gt3A_45 : i1 to i32
    %cond3A_47 = arith.constant 0 : i32
    %cond3A_48 = arith.cmpi ne, %convert_element_type3A_46, %cond3A_47 : i32
    scf.if %cond3A_48 {
      %dma_start3A = arith.constant 0 : i32
      %dma_start3A_59 = arith.constant 0 : i32
      %dma_start3A_60 = tpu.memref_slice %arg9[%dma_start3A, %dma_start3A_59] : memref<40x128xi32, #tpu.memory_space<vmem>> -> memref<1x128xi32, #tpu.memory_space<vmem>>
      %dma_start3A_61 = tpu.memref_squeeze %dma_start3A_60 : memref<1x128xi32, #tpu.memory_space<vmem>> -> memref<128xi32, #tpu.memory_space<vmem>>
      %dma_start3A_62 = arith.constant 0 : i32
      %dma_start3A_63 = arith.constant 0 : i32
      %dma_start3A_64 = tpu.memref_slice %arg2[%dma_start3A_62, %dma_start3A_63] : memref<10000x128xf32, #tpu.memory_space<hbm>> -> memref<10000x128xf32, #tpu.memory_space<hbm>>
      tpu.enqueue_indirect_dma source(%dma_start3A_64 : memref<10000x128xf32, #tpu.memory_space<hbm>>) target(%arg11 : memref<128x128xf32, #tpu.memory_space<vmem>>) offsets(%dma_start3A_61 : memref<128xi32, #tpu.memory_space<vmem>>) semaphore(%arg13 : memref<!tpu.dma_semaphore, #tpu.memory_space<semaphore_mem>>)
      %dma_start3A_65 = arith.constant 1 : i32
      %dma_start3A_66 = arith.constant 0 : i32
      %dma_start3A_67 = tpu.memref_slice %arg9[%dma_start3A_65, %dma_start3A_66] : memref<40x128xi32, #tpu.memory_space<vmem>> -> memref<1x128xi32, #tpu.memory_space<vmem>>
      %dma_start3A_68 = tpu.memref_squeeze %dma_start3A_67 : memref<1x128xi32, #tpu.memory_space<vmem>> -> memref<128xi32, #tpu.memory_space<vmem>>
      %dma_start3A_69 = arith.constant 0 : i32
      %dma_start3A_70 = arith.constant 0 : i32
      %dma_start3A_71 = tpu.memref_slice %arg2[%dma_start3A_69, %dma_start3A_70] : memref<10000x128xf32, #tpu.memory_space<hbm>> -> memref<10000x128xf32, #tpu.memory_space<hbm>>
      tpu.enqueue_indirect_dma source(%dma_start3A_71 : memref<10000x128xf32, #tpu.memory_space<hbm>>) target(%arg12 : memref<128x128xf32, #tpu.memory_space<vmem>>) offsets(%dma_start3A_68 : memref<128xi32, #tpu.memory_space<vmem>>) semaphore(%arg14 : memref<!tpu.dma_semaphore, #tpu.memory_space<semaphore_mem>>)
    } else {
    }
    %scan3A_49 = arith.constant 0 : i32
    %scan3A_50 = arith.constant 0 : i32
    %scan3A_51 = arith.constant 20 : i32
    %scan3A_52 = arith.addi %scan3A_50, %scan3A_51 : i32
    %scan3A_53 = arith.constant 1 : i32
    scf.for %scan3A_59 = %scan3A_50 to %scan3A_52 step %scan3A_53  : i32 {
      %mul3A_60 = arith.constant 2 : i32
      %mul3A_61 = arith.muli %scan3A_59, %mul3A_60 : i32
      %add3A_62 = arith.constant 0 : i32
      %add3A_63 = arith.addi %mul3A_61, %add3A_62 : i32
      %lt3A_64 = arith.cmpi slt, %add3A_63, %select_n3A_43 : i32
      %convert_element_type3A_65 = arith.extui %lt3A_64 : i1 to i32
      %cond3A_66 = arith.constant 0 : i32
      %cond3A_67 = arith.cmpi ne, %convert_element_type3A_65, %cond3A_66 : i32
      scf.if %cond3A_67 {
        %dma_wait3A = arith.constant 0 : i32
        %dma_wait3A_76 = tpu.memref_slice %arg9[%add3A_63, %dma_wait3A] : memref<40x128xi32, #tpu.memory_space<vmem>> -> memref<1x128xi32, #tpu.memory_space<vmem>>
        %dma_wait3A_77 = tpu.memref_squeeze %dma_wait3A_76 : memref<1x128xi32, #tpu.memory_space<vmem>> -> memref<128xi32, #tpu.memory_space<vmem>>
        %dma_wait3A_78 = arith.constant 0 : i32
        %dma_wait3A_79 = arith.constant 0 : i32
        %dma_wait3A_80 = tpu.memref_slice %arg2[%dma_wait3A_78, %dma_wait3A_79] : memref<10000x128xf32, #tpu.memory_space<hbm>> -> memref<10000x128xf32, #tpu.memory_space<hbm>>
        tpu.wait_indirect_dma semaphore(%arg13 : memref<!tpu.dma_semaphore, #tpu.memory_space<semaphore_mem>>) src(%dma_wait3A_80 : memref<10000x128xf32, #tpu.memory_space<hbm>>) dst(%arg11 : memref<128x128xf32, #tpu.memory_space<vmem>>)
        %dma_start3A = arith.constant 0 : i32
        %dma_start3A_81 = tpu.memref_slice %arg10[%add3A_63, %dma_start3A] : memref<40x128xi32, #tpu.memory_space<vmem>> -> memref<1x128xi32, #tpu.memory_space<vmem>>
        %dma_start3A_82 = tpu.memref_squeeze %dma_start3A_81 : memref<1x128xi32, #tpu.memory_space<vmem>> -> memref<128xi32, #tpu.memory_space<vmem>>
        %dma_start3A_83 = arith.constant 0 : i32
        %dma_start3A_84 = arith.constant 0 : i32
        %dma_start3A_85 = tpu.memref_slice %arg8[%dma_start3A_83, %dma_start3A_84] : memref<10112x128xf32, #tpu.memory_space<vmem_shared>> -> memref<10112x128xf32, #tpu.memory_space<vmem_shared>>
        tpu.enqueue_indirect_dma source(%arg11 : memref<128x128xf32, #tpu.memory_space<vmem>>) target(%dma_start3A_85 : memref<10112x128xf32, #tpu.memory_space<vmem_shared>>) offsets(%dma_start3A_82 : memref<128xi32, #tpu.memory_space<vmem>>) semaphore(%arg15 : memref<!tpu.dma_semaphore, #tpu.memory_space<semaphore_mem>>) {add = true}
        %dma_wait3A_86 = arith.constant 0 : i32
        %dma_wait3A_87 = tpu.memref_slice %arg10[%add3A_63, %dma_wait3A_86] : memref<40x128xi32, #tpu.memory_space<vmem>> -> memref<1x128xi32, #tpu.memory_space<vmem>>
        %dma_wait3A_88 = tpu.memref_squeeze %dma_wait3A_87 : memref<1x128xi32, #tpu.memory_space<vmem>> -> memref<128xi32, #tpu.memory_space<vmem>>
        %dma_wait3A_89 = arith.constant 0 : i32
        %dma_wait3A_90 = arith.constant 0 : i32
        %dma_wait3A_91 = tpu.memref_slice %arg8[%dma_wait3A_89, %dma_wait3A_90] : memref<10112x128xf32, #tpu.memory_space<vmem_shared>> -> memref<10112x128xf32, #tpu.memory_space<vmem_shared>>
        tpu.wait_indirect_dma semaphore(%arg15 : memref<!tpu.dma_semaphore, #tpu.memory_space<semaphore_mem>>) src(%arg11 : memref<128x128xf32, #tpu.memory_space<vmem>>) dst(%dma_wait3A_91 : memref<10112x128xf32, #tpu.memory_space<vmem_shared>>)
        %add3A_92 = arith.constant 2 : i32
        %add3A_93 = arith.addi %add3A_63, %add3A_92 : i32
        %lt3A_94 = arith.cmpi slt, %add3A_93, %select_n3A_43 : i32
        %convert_element_type3A_95 = arith.extui %lt3A_94 : i1 to i32
        %cond3A_96 = arith.constant 0 : i32
        %cond3A_97 = arith.cmpi ne, %convert_element_type3A_95, %cond3A_96 : i32
        scf.if %cond3A_97 {
          %add3A_98 = arith.constant 2 : i32
          %add3A_99 = arith.addi %add3A_63, %add3A_98 : i32
          %dma_start3A_100 = arith.constant 0 : i32
          %dma_start3A_101 = tpu.memref_slice %arg9[%add3A_99, %dma_start3A_100] : memref<40x128xi32, #tpu.memory_space<vmem>> -> memref<1x128xi32, #tpu.memory_space<vmem>>
          %dma_start3A_102 = tpu.memref_squeeze %dma_start3A_101 : memref<1x128xi32, #tpu.memory_space<vmem>> -> memref<128xi32, #tpu.memory_space<vmem>>
          %dma_start3A_103 = arith.constant 0 : i32
          %dma_start3A_104 = arith.constant 0 : i32
          %dma_start3A_105 = tpu.memref_slice %arg2[%dma_start3A_103, %dma_start3A_104] : memref<10000x128xf32, #tpu.memory_space<hbm>> -> memref<10000x128xf32, #tpu.memory_space<hbm>>
          tpu.enqueue_indirect_dma source(%dma_start3A_105 : memref<10000x128xf32, #tpu.memory_space<hbm>>) target(%arg11 : memref<128x128xf32, #tpu.memory_space<vmem>>) offsets(%dma_start3A_102 : memref<128xi32, #tpu.memory_space<vmem>>) semaphore(%arg13 : memref<!tpu.dma_semaphore, #tpu.memory_space<semaphore_mem>>)
        } else {
        }
      } else {
      }
      %mul3A_68 = arith.constant 2 : i32
      %mul3A_69 = arith.muli %scan3A_59, %mul3A_68 : i32
      %add3A_70 = arith.constant 1 : i32
      %add3A_71 = arith.addi %mul3A_69, %add3A_70 : i32
      %lt3A_72 = arith.cmpi slt, %add3A_71, %select_n3A_43 : i32
      %convert_element_type3A_73 = arith.extui %lt3A_72 : i1 to i32
      %cond3A_74 = arith.constant 0 : i32
      %cond3A_75 = arith.cmpi ne, %convert_element_type3A_73, %cond3A_74 : i32
      scf.if %cond3A_75 {
        %dma_wait3A = arith.constant 0 : i32
        %dma_wait3A_76 = tpu.memref_slice %arg9[%add3A_71, %dma_wait3A] : memref<40x128xi32, #tpu.memory_space<vmem>> -> memref<1x128xi32, #tpu.memory_space<vmem>>
        %dma_wait3A_77 = tpu.memref_squeeze %dma_wait3A_76 : memref<1x128xi32, #tpu.memory_space<vmem>> -> memref<128xi32, #tpu.memory_space<vmem>>
        %dma_wait3A_78 = arith.constant 0 : i32
        %dma_wait3A_79 = arith.constant 0 : i32
        %dma_wait3A_80 = tpu.memref_slice %arg2[%dma_wait3A_78, %dma_wait3A_79] : memref<10000x128xf32, #tpu.memory_space<hbm>> -> memref<10000x128xf32, #tpu.memory_space<hbm>>
        tpu.wait_indirect_dma semaphore(%arg14 : memref<!tpu.dma_semaphore, #tpu.memory_space<semaphore_mem>>) src(%dma_wait3A_80 : memref<10000x128xf32, #tpu.memory_space<hbm>>) dst(%arg12 : memref<128x128xf32, #tpu.memory_space<vmem>>)
        %dma_start3A = arith.constant 0 : i32
        %dma_start3A_81 = tpu.memref_slice %arg10[%add3A_71, %dma_start3A] : memref<40x128xi32, #tpu.memory_space<vmem>> -> memref<1x128xi32, #tpu.memory_space<vmem>>
        %dma_start3A_82 = tpu.memref_squeeze %dma_start3A_81 : memref<1x128xi32, #tpu.memory_space<vmem>> -> memref<128xi32, #tpu.memory_space<vmem>>
        %dma_start3A_83 = arith.constant 0 : i32
        %dma_start3A_84 = arith.constant 0 : i32
        %dma_start3A_85 = tpu.memref_slice %arg8[%dma_start3A_83, %dma_start3A_84] : memref<10112x128xf32, #tpu.memory_space<vmem_shared>> -> memref<10112x128xf32, #tpu.memory_space<vmem_shared>>
        tpu.enqueue_indirect_dma source(%arg12 : memref<128x128xf32, #tpu.memory_space<vmem>>) target(%dma_start3A_85 : memref<10112x128xf32, #tpu.memory_space<vmem_shared>>) offsets(%dma_start3A_82 : memref<128xi32, #tpu.memory_space<vmem>>) semaphore(%arg16 : memref<!tpu.dma_semaphore, #tpu.memory_space<semaphore_mem>>) {add = true}
        %dma_wait3A_86 = arith.constant 0 : i32
        %dma_wait3A_87 = tpu.memref_slice %arg10[%add3A_71, %dma_wait3A_86] : memref<40x128xi32, #tpu.memory_space<vmem>> -> memref<1x128xi32, #tpu.memory_space<vmem>>
        %dma_wait3A_88 = tpu.memref_squeeze %dma_wait3A_87 : memref<1x128xi32, #tpu.memory_space<vmem>> -> memref<128xi32, #tpu.memory_space<vmem>>
        %dma_wait3A_89 = arith.constant 0 : i32
        %dma_wait3A_90 = arith.constant 0 : i32
        %dma_wait3A_91 = tpu.memref_slice %arg8[%dma_wait3A_89, %dma_wait3A_90] : memref<10112x128xf32, #tpu.memory_space<vmem_shared>> -> memref<10112x128xf32, #tpu.memory_space<vmem_shared>>
        tpu.wait_indirect_dma semaphore(%arg16 : memref<!tpu.dma_semaphore, #tpu.memory_space<semaphore_mem>>) src(%arg12 : memref<128x128xf32, #tpu.memory_space<vmem>>) dst(%dma_wait3A_91 : memref<10112x128xf32, #tpu.memory_space<vmem_shared>>)
        %add3A_92 = arith.constant 2 : i32
        %add3A_93 = arith.addi %add3A_71, %add3A_92 : i32
        %lt3A_94 = arith.cmpi slt, %add3A_93, %select_n3A_43 : i32
        %convert_element_type3A_95 = arith.extui %lt3A_94 : i1 to i32
        %cond3A_96 = arith.constant 0 : i32
        %cond3A_97 = arith.cmpi ne, %convert_element_type3A_95, %cond3A_96 : i32
        scf.if %cond3A_97 {
          %add3A_98 = arith.constant 2 : i32
          %add3A_99 = arith.addi %add3A_71, %add3A_98 : i32
          %dma_start3A_100 = arith.constant 0 : i32
          %dma_start3A_101 = tpu.memref_slice %arg9[%add3A_99, %dma_start3A_100] : memref<40x128xi32, #tpu.memory_space<vmem>> -> memref<1x128xi32, #tpu.memory_space<vmem>>
          %dma_start3A_102 = tpu.memref_squeeze %dma_start3A_101 : memref<1x128xi32, #tpu.memory_space<vmem>> -> memref<128xi32, #tpu.memory_space<vmem>>
          %dma_start3A_103 = arith.constant 0 : i32
          %dma_start3A_104 = arith.constant 0 : i32
          %dma_start3A_105 = tpu.memref_slice %arg2[%dma_start3A_103, %dma_start3A_104] : memref<10000x128xf32, #tpu.memory_space<hbm>> -> memref<10000x128xf32, #tpu.memory_space<hbm>>
          tpu.enqueue_indirect_dma source(%dma_start3A_105 : memref<10000x128xf32, #tpu.memory_space<hbm>>) target(%arg12 : memref<128x128xf32, #tpu.memory_space<vmem>>) offsets(%dma_start3A_102 : memref<128xi32, #tpu.memory_space<vmem>>) semaphore(%arg14 : memref<!tpu.dma_semaphore, #tpu.memory_space<semaphore_mem>>)
        } else {
        }
      } else {
      }
    }
    %scan3A_54 = arith.constant 20 : i32
    %barrier3A_55 = arith.constant 0 : index
    tpu.barrier barrier_id(%barrier3A_55)
    %mul3A_56 = arith.constant 10112 : i32
    %mul3A_57 = arith.muli %arg0, %mul3A_56 : i32
    %add3A_58 = arith.addi %mul3A_57, %mul3A_2 : i32
    "tpu.region"() ({
      %run_scoped3A = tpu.sem_alloc : memref<!tpu.dma_semaphore, #tpu.memory_space<semaphore_mem>>
      %dma_start3A = arith.constant 0 : i32
      %dma_start3A_59 = tpu.memref_slice %arg7[%add3A_58, %dma_start3A] : memref<20224x128xf32, #tpu.memory_space<hbm>> -> memref<632x128xf32, #tpu.memory_space<hbm>>
      %dma_start3A_60 = arith.constant 0 : i32
      %dma_start3A_61 = tpu.memref_slice %arg8[%mul3A_2, %dma_start3A_60] : memref<10112x128xf32, #tpu.memory_space<vmem_shared>> -> memref<632x128xf32, #tpu.memory_space<vmem_shared>>
      tpu.enqueue_dma source(%dma_start3A_61 : memref<632x128xf32, #tpu.memory_space<vmem_shared>>) target(%dma_start3A_59 : memref<632x128xf32, #tpu.memory_space<hbm>>) target_semaphore(%run_scoped3A : memref<!tpu.dma_semaphore, #tpu.memory_space<semaphore_mem>>)
      %dma_wait3A = arith.constant 0 : i32
      %dma_wait3A_62 = tpu.memref_slice %arg7[%add3A_58, %dma_wait3A] : memref<20224x128xf32, #tpu.memory_space<hbm>> -> memref<632x128xf32, #tpu.memory_space<hbm>>
      %dma_wait3A_63 = arith.constant 0 : i32
      %dma_wait3A_64 = tpu.memref_slice %arg8[%mul3A_2, %dma_wait3A_63] : memref<10112x128xf32, #tpu.memory_space<vmem_shared>> -> memref<632x128xf32, #tpu.memory_space<vmem_shared>>
      tpu.wait_dma2 semaphore(%run_scoped3A : memref<!tpu.dma_semaphore, #tpu.memory_space<semaphore_mem>>) src(%dma_wait3A_64 : memref<632x128xf32, #tpu.memory_space<vmem_shared>>) dst(%dma_wait3A_62 : memref<632x128xf32, #tpu.memory_space<hbm>>)
      tpu.yield
    }) : () -> ()
    return
  }
}

module attributes {stable_mosaic.version = 14 : i64} {
  func.func @_tc_block(%arg0: i32, %arg1: memref<5000x128xf32, #tpu.memory_space<vmem>>, %arg2: memref<2x5000x128xf32, #tpu.memory_space<vmem>>, %arg3: memref<128x128xf32, #tpu.memory_space<vmem>>, %arg4: memref<1x128xf32, #tpu.memory_space<vmem>>, %arg5: memref<128x128xf32, #tpu.memory_space<vmem>>, %arg6: memref<1x128xf32, #tpu.memory_space<vmem>>, %arg7: memref<1x128xf32, #tpu.memory_space<vmem>>, %arg8: memref<1x128xf32, #tpu.memory_space<vmem>>, %arg9: memref<128x128xf32, #tpu.memory_space<vmem>>, %arg10: memref<1x128xf32, #tpu.memory_space<vmem>>, %arg11: memref<5000x128xf32, #tpu.memory_space<vmem>>) attributes {dimension_semantics = [#tpu.dimension_semantics<arbitrary>], iteration_bounds = array<i64: 2>, scalar_prefetch = 0 : i64, scratch_operands = 0 : i64, tpu.core_type = #tpu.core_type<tc>, window_params = [{transform_indices = @transform_0, window_bounds = array<i64: 5000, 128>}, {transform_indices = @transform_1, window_bounds = array<i64: 2, 5000, 128>}, {pipeline_mode = #tpu.pipeline_mode<synchronous>, transform_indices = @transform_2, window_bounds = array<i64: 128, 128>}, {pipeline_mode = #tpu.pipeline_mode<synchronous>, transform_indices = @transform_3, window_bounds = array<i64: 1, 128>}, {pipeline_mode = #tpu.pipeline_mode<synchronous>, transform_indices = @transform_4, window_bounds = array<i64: 128, 128>}, {pipeline_mode = #tpu.pipeline_mode<synchronous>, transform_indices = @transform_5, window_bounds = array<i64: 1, 128>}, {pipeline_mode = #tpu.pipeline_mode<synchronous>, transform_indices = @transform_6, window_bounds = array<i64: 1, 128>}, {pipeline_mode = #tpu.pipeline_mode<synchronous>, transform_indices = @transform_7, window_bounds = array<i64: 1, 128>}, {pipeline_mode = #tpu.pipeline_mode<synchronous>, transform_indices = @transform_8, window_bounds = array<i64: 128, 128>}, {pipeline_mode = #tpu.pipeline_mode<synchronous>, transform_indices = @transform_9, window_bounds = array<i64: 1, 128>}, {transform_indices = @transform_10, window_bounds = array<i64: 5000, 128>}]} {
    %get3A = arith.constant 0 : index
    %get3A_0 = arith.constant 0 : index
    %get3A_1 = vector.load %arg1[%get3A, %get3A_0] : memref<5000x128xf32, #tpu.memory_space<vmem>>, vector<5000x128xf32>
    %get3A_2 = arith.constant 0 : index
    %get3A_3 = arith.constant 0 : index
    %get3A_4 = arith.constant 0 : index
    %get3A_5 = vector.load %arg2[%get3A_2, %get3A_3, %get3A_4] : memref<2x5000x128xf32, #tpu.memory_space<vmem>>, vector<1x5000x128xf32>
    %get3A_6 = vector.shape_cast %get3A_5 : vector<1x5000x128xf32> to vector<5000x128xf32>
    %get3A_7 = arith.constant 1 : index
    %get3A_8 = arith.constant 0 : index
    %get3A_9 = arith.constant 0 : index
    %get3A_10 = vector.load %arg2[%get3A_7, %get3A_8, %get3A_9] : memref<2x5000x128xf32, #tpu.memory_space<vmem>>, vector<1x5000x128xf32>
    %get3A_11 = vector.shape_cast %get3A_10 : vector<1x5000x128xf32> to vector<5000x128xf32>
    %add3A = arith.addf %get3A_6, %get3A_11 : vector<5000x128xf32>
    %sub3A = arith.subf %add3A, %get3A_1 : vector<5000x128xf32>
    %get3A_12 = arith.constant 0 : index
    %get3A_13 = arith.constant 0 : index
    %get3A_14 = vector.load %arg3[%get3A_12, %get3A_13] : memref<128x128xf32, #tpu.memory_space<vmem>>, vector<128x128xf32>
    %dot_general3A = arith.constant dense<0.000000e+00> : vector<5000x128xf32>
    %dot_general3A_15 = tpu.matmul %sub3A, %get3A_14, %dot_general3A {dimension_numbers = #tpu.dot_dimension_numbers<[1], [1], [0], [0], [0, 0, 1, 0], [], []>, transpose_lhs_hint = false} : vector<5000x128xf32>, vector<128x128xf32>, vector<5000x128xf32> -> vector<5000x128xf32>
    %get3A_16 = arith.constant 0 : index
    %get3A_17 = arith.constant 0 : index
    %get3A_18 = vector.load %arg4[%get3A_16, %get3A_17] : memref<1x128xf32, #tpu.memory_space<vmem>>, vector<1x128xf32>
    %add3A_19 = vector.broadcast %get3A_18 : vector<1x128xf32> to vector<5000x128xf32>
    %add3A_20 = arith.addf %dot_general3A_15, %add3A_19 : vector<5000x128xf32>
    %max3A = arith.constant 0.000000e+00 : f32
    %max3A_21 = vector.broadcast %max3A : f32 to vector<5000x128xf32>
    %max3A_22 = arith.maximumf %add3A_20, %max3A_21 : vector<5000x128xf32>
    %get3A_23 = arith.constant 0 : index
    %get3A_24 = arith.constant 0 : index
    %get3A_25 = vector.load %arg5[%get3A_23, %get3A_24] : memref<128x128xf32, #tpu.memory_space<vmem>>, vector<128x128xf32>
    %dot_general3A_26 = arith.constant dense<0.000000e+00> : vector<5000x128xf32>
    %dot_general3A_27 = tpu.matmul %max3A_22, %get3A_25, %dot_general3A_26 {dimension_numbers = #tpu.dot_dimension_numbers<[1], [1], [0], [0], [0, 0, 1, 0], [], []>, transpose_lhs_hint = false} : vector<5000x128xf32>, vector<128x128xf32>, vector<5000x128xf32> -> vector<5000x128xf32>
    %get3A_28 = arith.constant 0 : index
    %get3A_29 = arith.constant 0 : index
    %get3A_30 = vector.load %arg6[%get3A_28, %get3A_29] : memref<1x128xf32, #tpu.memory_space<vmem>>, vector<1x128xf32>
    %add3A_31 = vector.broadcast %get3A_30 : vector<1x128xf32> to vector<5000x128xf32>
    %add3A_32 = arith.addf %dot_general3A_27, %add3A_31 : vector<5000x128xf32>
    %reduce_sum3A = arith.constant dense<0.000000e+00> : vector<5000xf32>
    %reduce_sum3A_33 = vector.multi_reduction <add>, %add3A_32, %reduce_sum3A [1] : vector<5000x128xf32> to vector<5000xf32>
    %broadcast_in_dim3A = vector.shape_cast %reduce_sum3A_33 : vector<5000xf32> to vector<5000x1xf32>
    %div3A = arith.constant 1.280000e+02 : f32
    %div3A_34 = vector.broadcast %div3A : f32 to vector<5000x1xf32>
    %div3A_35 = arith.divf %broadcast_in_dim3A, %div3A_34 : vector<5000x1xf32>
    %sub3A_36 = vector.broadcast %div3A_35 : vector<5000x1xf32> to vector<5000x128xf32>
    %sub3A_37 = arith.subf %add3A_32, %sub3A_36 : vector<5000x128xf32>
    %mul3A = arith.mulf %sub3A_37, %sub3A_37 : vector<5000x128xf32>
    %reduce_sum3A_38 = arith.constant dense<0.000000e+00> : vector<5000xf32>
    %reduce_sum3A_39 = vector.multi_reduction <add>, %mul3A, %reduce_sum3A_38 [1] : vector<5000x128xf32> to vector<5000xf32>
    %broadcast_in_dim3A_40 = vector.shape_cast %reduce_sum3A_39 : vector<5000xf32> to vector<5000x1xf32>
    %div3A_41 = arith.constant 1.280000e+02 : f32
    %div3A_42 = vector.broadcast %div3A_41 : f32 to vector<5000x1xf32>
    %div3A_43 = arith.divf %broadcast_in_dim3A_40, %div3A_42 : vector<5000x1xf32>
    %add3A_44 = arith.constant 9.99999974E-6 : f32
    %add3A_45 = vector.broadcast %add3A_44 : f32 to vector<5000x1xf32>
    %add3A_46 = arith.addf %div3A_43, %add3A_45 : vector<5000x1xf32>
    %rsqrt3A = math.rsqrt %add3A_46 : vector<5000x1xf32>
    %mul3A_47 = vector.broadcast %rsqrt3A : vector<5000x1xf32> to vector<5000x128xf32>
    %mul3A_48 = arith.mulf %sub3A_37, %mul3A_47 : vector<5000x128xf32>
    %get3A_49 = arith.constant 0 : index
    %get3A_50 = arith.constant 0 : index
    %get3A_51 = vector.load %arg7[%get3A_49, %get3A_50] : memref<1x128xf32, #tpu.memory_space<vmem>>, vector<1x128xf32>
    %mul3A_52 = vector.broadcast %get3A_51 : vector<1x128xf32> to vector<5000x128xf32>
    %mul3A_53 = arith.mulf %mul3A_48, %mul3A_52 : vector<5000x128xf32>
    %get3A_54 = arith.constant 0 : index
    %get3A_55 = arith.constant 0 : index
    %get3A_56 = vector.load %arg8[%get3A_54, %get3A_55] : memref<1x128xf32, #tpu.memory_space<vmem>>, vector<1x128xf32>
    %add3A_57 = vector.broadcast %get3A_56 : vector<1x128xf32> to vector<5000x128xf32>
    %add3A_58 = arith.addf %mul3A_53, %add3A_57 : vector<5000x128xf32>
    %get3A_59 = arith.constant 0 : index
    %get3A_60 = arith.constant 0 : index
    %get3A_61 = vector.load %arg9[%get3A_59, %get3A_60] : memref<128x128xf32, #tpu.memory_space<vmem>>, vector<128x128xf32>
    %dot_general3A_62 = arith.constant dense<0.000000e+00> : vector<5000x128xf32>
    %dot_general3A_63 = tpu.matmul %get3A_1, %get3A_61, %dot_general3A_62 {dimension_numbers = #tpu.dot_dimension_numbers<[1], [1], [0], [0], [0, 0, 1, 0], [], []>, transpose_lhs_hint = false} : vector<5000x128xf32>, vector<128x128xf32>, vector<5000x128xf32> -> vector<5000x128xf32>
    %get3A_64 = arith.constant 0 : index
    %get3A_65 = arith.constant 0 : index
    %get3A_66 = vector.load %arg10[%get3A_64, %get3A_65] : memref<1x128xf32, #tpu.memory_space<vmem>>, vector<1x128xf32>
    %add3A_67 = vector.broadcast %get3A_66 : vector<1x128xf32> to vector<5000x128xf32>
    %add3A_68 = arith.addf %dot_general3A_63, %add3A_67 : vector<5000x128xf32>
    %add3A_69 = arith.addf %add3A_58, %add3A_68 : vector<5000x128xf32>
    %swap3A = arith.constant 0 : index
    %swap3A_70 = arith.constant 0 : index
    %swap3A_71 = vector.load %arg11[%swap3A, %swap3A_70] : memref<5000x128xf32, #tpu.memory_space<vmem>>, vector<5000x128xf32>
    tpu.vector_store %arg11[%swap3A, %swap3A_70], %add3A_69 {strides = array<i32>} : memref<5000x128xf32, #tpu.memory_space<vmem>>, vector<5000x128xf32>,
    return
  }
  func.func @transform_0(%arg0: i32) -> (i32, i32) {
    %c0_i32 = arith.constant 0 : i32
    %c0_i32_0 = arith.constant 0 : i32
    return %arg0, %c0_i32 : i32, i32
  }
  func.func @transform_1(%arg0: i32) -> (i32, i32, i32) {
    %c0_i32 = arith.constant 0 : i32
    %c0_i32_0 = arith.constant 0 : i32
    %c0_i32_1 = arith.constant 0 : i32
    return %c0_i32, %arg0, %c0_i32_0 : i32, i32, i32
  }
  func.func @transform_2(%arg0: i32) -> (i32, i32) {
    %c0_i32 = arith.constant 0 : i32
    %c0_i32_0 = arith.constant 0 : i32
    %c0_i32_1 = arith.constant 0 : i32
    return %c0_i32, %c0_i32_0 : i32, i32
  }
  func.func @transform_3(%arg0: i32) -> (i32, i32) {
    %c0_i32 = arith.constant 0 : i32
    %c0_i32_0 = arith.constant 0 : i32
    %c0_i32_1 = arith.constant 0 : i32
    return %c0_i32, %c0_i32_0 : i32, i32
  }
  func.func @transform_4(%arg0: i32) -> (i32, i32) {
    %c0_i32 = arith.constant 0 : i32
    %c0_i32_0 = arith.constant 0 : i32
    %c0_i32_1 = arith.constant 0 : i32
    return %c0_i32, %c0_i32_0 : i32, i32
  }
  func.func @transform_5(%arg0: i32) -> (i32, i32) {
    %c0_i32 = arith.constant 0 : i32
    %c0_i32_0 = arith.constant 0 : i32
    %c0_i32_1 = arith.constant 0 : i32
    return %c0_i32, %c0_i32_0 : i32, i32
  }
  func.func @transform_6(%arg0: i32) -> (i32, i32) {
    %c0_i32 = arith.constant 0 : i32
    %c0_i32_0 = arith.constant 0 : i32
    %c0_i32_1 = arith.constant 0 : i32
    return %c0_i32, %c0_i32_0 : i32, i32
  }
  func.func @transform_7(%arg0: i32) -> (i32, i32) {
    %c0_i32 = arith.constant 0 : i32
    %c0_i32_0 = arith.constant 0 : i32
    %c0_i32_1 = arith.constant 0 : i32
    return %c0_i32, %c0_i32_0 : i32, i32
  }
  func.func @transform_8(%arg0: i32) -> (i32, i32) {
    %c0_i32 = arith.constant 0 : i32
    %c0_i32_0 = arith.constant 0 : i32
    %c0_i32_1 = arith.constant 0 : i32
    return %c0_i32, %c0_i32_0 : i32, i32
  }
  func.func @transform_9(%arg0: i32) -> (i32, i32) {
    %c0_i32 = arith.constant 0 : i32
    %c0_i32_0 = arith.constant 0 : i32
    %c0_i32_1 = arith.constant 0 : i32
    return %c0_i32, %c0_i32_0 : i32, i32
  }
  func.func @transform_10(%arg0: i32) -> (i32, i32) {
    %c0_i32 = arith.constant 0 : i32
    %c0_i32_0 = arith.constant 0 : i32
    return %arg0, %c0_i32 : i32, i32
  }
}

</mosaic_0001>

<sc_bundles>
// kernel: kernel.4.cloned.1.call-start
scs
__scs_entry_jumppad:
0x0: {  	(pc) =	sbr.rel $0x88, $3  }
0x1: {  	(tag) =	ssettag $0x0;
	lr =	simm.s32 $0x1  }
0x2: {  	[smem:$0x3F97] =	sst lr;
	_ =	strace $0xD0000000  }
0x3: {  	_ = 	snop  }
0x4: {  	_ = 	snop  }
0x5: {  	_ = 	snop  }
0x6: {  	_ = 	snop  }
0x7: {  	_ = 	snop  }
__scs_overlays_trampoline_lowered:
0x8: {  	[smem:$0x3FA6] =	sst s0  }
0x9: {  	[smem:$0x3FA7] =	sst s1  }
0xa: {  	[smem:$0x3FA8] =	sst s2  }
0xb: {  	[smem:$0x3FA9] =	sst s3  }
0xc: {  	[smem:$0x3FAA] =	sst s4  }
0xd: {  	[smem:$0x3FAB] =	sst s5  }
0xe: {  	[smem:$0x3FAC] =	sst s6  }
0xf: {  	[smem:$0x3FAD] =	sst s7  }
0x10: {  	[smem:$0x3FAE] =	sst s8  }
0x11: {  	[smem:$0x3FAF] =	sst s9;
	s0 =	simm.s32 @!p0 $0x0  }
0x12: {  	s1 =	sld [smem:$0x3F95];
	s0 =	simm.s32 @p0 $0x1  }
0x13: {  	[smem:$0x3FB0] =	sst s0;
	s0 =	simm.s32 @!p1 $0x0  }
0x14: {  	s2 =	sld [smem:$0x3F94];
	s0 =	simm.s32 @p1 $0x1  }
0x15: {  	[smem:$0x3FB1] =	sst s0;
	s0 =	simm.s32 @!p2 $0x0  }
0x16: {  	s3 =	sld [smem:$0x3FDB];
	s0 =	simm.s32 @p2 $0x1  }
0x17: {  	s4 =	simm.s32 $0x1BF5;
	[smem:$0x3FB3] =	sst s0  }
0x18: {  	s0 =	sld [smem:$0x3F96];
	_ =	swait.ge [sflag:s4], $0x0  }
0x19: {  	s7 =	sld [smem:$0x3F97]  }
0x1a: {  	s8 =	sadd.s32 $0xFFFFE003, lr  }
0x1b: {  	s9 =	sadd.s32 $0xFFFFFEF7, lr;
	s5 =	simm.s32 $0xFFFFFFFF;
	p2 =	slt.u32 s8, $0xFFFFF086  }
0x1c: {  	p1 =	slt.u32 s9, $0xF7A;
	s5 =	simm.s32 @!p2 $0x0  }
0x1d: {  	s5 =	simm.s32 @p1 $0x1;
	p0 =	seq.s32 s7, s2  }
0x1e: {  	s7 =	smul.u32 @!p0 $0xF7A, s2;
	p2 =	seq.s32 @!p0 s5, $0x0  }
0x1f: {  	s9 =	smul.u32 $0xF7A, s1;
	s8 =	simm.s32 @!p0 $0x1BF5;
	p2 =	por !p2, p0  }
0x20: {  	[sflag:s8] =	ssyncset.s32 @!p0 $0xFFFFF086;
	s6 =	sadd.s32 @!p0 s3, s7;
	s7 =	simm.s32 @!p0 $0x108  }
0x21: {  	s3 =	sadd.s32 s3, s9;
	s6 =	sadd.s32 @!p0 $0x88, s6;
	s7 =	simm.s32 @p2 $0x1082  }
0x22: {  	[simem:s7], [sflag:s8] =	dma.local @!p0 [hbm:s6], $0xF7A  }
0x23: {  	s9 =	sor.u32 $0xD0000000, s2;
	s6 =	simm.s32 $0x108;
	_ =	swait.ge @!p0 [sflag:s8], $0x0  }
0x24: {  	s3 =	sadd.s32 $0x88, s3;
	s6 =	simm.s32 @!p1 $0x1082;
	[sflag:s4] =	ssyncset.s32 $0xFFFFF086  }
0x25: {  	[simem:s6], [sflag:s4] =	dma.local [hbm:s3], $0xF7A  }
0x26: {  	[smem:$0x3F97] =	sst s1;
	(tag) =	ssettag s2;
	_ =	strace s9  }
0x27: {  	s1 =	sld [smem:$0x3FA7]  }
0x28: {  	s2 =	sld [smem:$0x3FA8]  }
0x29: {  	s4 =	sld [smem:$0x3FAA]  }
0x2a: {  	p0 =	seq.s32 s5, $0x0;
	s5 =	sld [smem:$0x3FAB]  }
0x2b: {  	s6 =	sld [smem:$0x3FAC]  }
0x2c: {  	s7 =	sld [smem:$0x3FAD]  }
0x2d: {  	s3 =	simm.s32 $0x108;
	s8 =	sld [smem:$0x3FAE]  }
0x2e: {  	s3 =	simm.s32 @!p0 $0x1082;
	s9 =	sld [smem:$0x3FAF]  }
0x2f: {  	lr =	sadd.s32 s0, s3;
	s0 =	sld [smem:$0x3FA6]  }
0x30: {  	s3 =	sld [smem:$0x3FA9]  }
0x31: {  	[smem:$0x3FB2] =	sst s10  }
0x32: {  	s10 =	sld [smem:$0x3FB0];
	_ =	sdelay $0x3  }
0x33: {  	p0 =	seq.s32 s10, $0x1;
	s10 =	sld [smem:$0x3FB2];
	_ =	sdelay $0x3  }
0x34: {  	[smem:$0x3FB2] =	sst s10  }
0x35: {  	s10 =	sld [smem:$0x3FB1];
	_ =	sdelay $0x3  }
0x36: {  	p1 =	seq.s32 s10, $0x1;
	s10 =	sld [smem:$0x3FB2];
	_ =	sdelay $0x3  }
0x37: {  	[smem:$0x3FB2] =	sst s10  }
0x38: {  	s10 =	sld [smem:$0x3FB3]  }
0x39: {  	_ = 	snop;
	(pc) =	sbr.ind lr, $3  }
0x3a: {  	_ = 	snop  }
0x3b: {  	_ = 	snop  }
0x3c: {  	p2 =	seq.s32 s10, $0x1;
	s10 =	sld [smem:$0x3FB2]  }
0x3d: {  	_ =	shalt  }
0x3e: {  	_ =	shalt  }
0x3f: {  	_ =	shalt  }
0x40: {  	_ =	shalt  }
0x41: {  	_ =	shalt  }
0x42: {  	_ =	shalt  }
0x43: {  	_ =	shalt  }
0x44: {  	_ =	shalt  }
0x45: {  	_ =	shalt  }
0x46: {  	_ =	shalt  }
0x47: {  	_ =	shalt  }
0x48: {  	_ =	shalt  }
0x49: {  	_ =	shalt  }
0x4a: {  	_ =	shalt  }
0x4b: {  	_ =	shalt  }
0x4c: {  	_ =	shalt  }
0x4d: {  	_ =	shalt  }
0x4e: {  	_ =	shalt  }
0x4f: {  	_ =	shalt  }
0x50: {  	_ =	shalt  }
0x51: {  	_ =	shalt  }
0x52: {  	_ =	shalt  }
0x53: {  	_ =	shalt  }
0x54: {  	_ =	shalt  }
0x55: {  	_ =	shalt  }
0x56: {  	_ =	shalt  }
0x57: {  	_ =	shalt  }
0x58: {  	_ =	shalt  }
0x59: {  	_ =	shalt  }
0x5a: {  	_ =	shalt  }
0x5b: {  	_ =	shalt  }
0x5c: {  	_ =	shalt  }
0x5d: {  	_ =	shalt  }
0x5e: {  	_ =	shalt  }
0x5f: {  	_ =	shalt  }
0x60: {  	_ =	shalt  }
0x61: {  	_ =	shalt  }
0x62: {  	_ =	shalt  }
0x63: {  	_ =	shalt  }
0x64: {  	_ =	shalt  }
0x65: {  	_ =	shalt  }
0x66: {  	_ =	shalt  }
0x67: {  	_ =	shalt  }
0x68: {  	_ =	shalt  }
0x69: {  	_ =	shalt  }
0x6a: {  	_ =	shalt  }
0x6b: {  	_ =	shalt  }
0x6c: {  	_ =	shalt  }
0x6d: {  	_ =	shalt  }
0x6e: {  	_ =	shalt  }
0x6f: {  	_ =	shalt  }
0x70: {  	_ =	shalt  }
0x71: {  	_ =	shalt  }
0x72: {  	_ =	shalt  }
0x73: {  	_ =	shalt  }
0x74: {  	_ =	shalt  }
0x75: {  	_ =	shalt  }
0x76: {  	_ =	shalt  }
0x77: {  	_ =	shalt  }
0x78: {  	_ =	shalt  }
0x79: {  	_ =	shalt  }
0x7a: {  	_ =	shalt  }
0x7b: {  	_ =	shalt  }
0x7c: {  	_ =	shalt  }
0x7d: {  	_ =	shalt  }
0x7e: {  	_ =	shalt  }
0x7f: {  	_ =	shalt  }
0x80: {  	_ =	shalt  }
0x81: {  	_ =	shalt  }
0x82: {  	_ =	shalt  }
0x83: {  	_ =	shalt  }
0x84: {  	_ =	shalt  }
0x85: {  	_ =	shalt  }
0x86: {  	_ =	shalt  }
0x87: {  	_ =	shalt  }
.Lfunc_end0:
.L_simem_size_0:
called_computation_lowered:
.L_overlay_start_0:
0x88: {  	s2 =	sld [smem:$0x3FD9]  }
0x89: {  	s3 =	sld [smem:$0x3FFE];
	_ =	sdelay $0x1  }
0x8a: {  	s1 =	srdreg.scid  }
0x8b: {  	s0 =	sand.u32 $0x1, s1  }
0x8c: {  	s17 =	sshll.u32 s0, $0xA;
	s2 =	sadd.s32 s3, s2  }
0x8d: {  	s2 =	sadd.s32 s2, s17  }
0x8e: {  	[smem:$0x3FBE] =	sst s2  }
0x8f: {  	_ = 	snop  }
0x90: {  	s2 =	sld [smem:$0x3FC9]  }
0x91: {  	s18 =	sld [smem:$0x3FD0];
	(tm) =	ssettm $0x1  }
0x92: {  	s4 =	sld [smem:$0x3FFB];
	_ =	sdelay $0x3  }
0x93: {  	_ =	strace s4  }
0x94: {  	s4 =	sld [smem:$0x3FFC];
	_ =	sdelay $0x3  }
0x95: {  	_ =	strace s4  }
0x96: {  	s4 =	sld [smem:$0x3FFD];
	_ =	sdelay $0x3  }
0x97: {  	_ =	strace s4  }
0x98: {  	_ =	strace $0x8FFFFFFF  }
0x99: {  	s19 =	sld [smem:$0x3FDB];
	_ =	sdelay $0x1  }
0x9a: {  	s5 =	simm.s32 $_scs_section_size  }
0x9b: {  	s6 =	simm.s32 $_size__tile_overlayer_lowered;
	s7 =	simm.s32 $_tile_overlayer_lowered  }
0x9c: {  	s22 =	simm.s32 $0x1BFF;
	s21 =	sshll.u32 s7, $0x1;
	s4 =	sadd.s32 s5, s19  }
0x9d: {  	s8 =	simm.s32 $0x0;
	s20 =	sshll.u32 s6, $0x1;
	s6 =	sadd.s32 s21, s4  }
0x9e: {  	[timem:s8], [sflag:s22] =	dma.local [hbm:s6], s20  }
0x9f: {  	_ =	swait.ge [sflag:s22], s20  }
0xa0: {  	s5 =	ssub.s32 $0x0, s20;
	[sflag:s22] =	ssyncset.done $0x0  }
0xa1: {  	[sflag:s22] =	ssyncadd.s32 s5;
	_ =	sdelay $0x1  }
0xa2: {  	s23 =	simm.s32 $0x1B8B  }
0xa3: {  	_ =	swait.ge [sflag:s23], $0x1  }
0xa4: {  	[sflag:s23] =	ssyncset.done $0x0  }
0xa5: {  	s25 =	simm.s32 $0x1B8E;
	s24 =	sld [smem:$0x3FFE];
	[sflag:s23] =	ssyncadd.s32 $0xFFFFFFFF  }
0xa6: {  	s26 =	simm.s32 $execute0_lowered;
	[smem:$0x3FD2] =	sst s25  }
0xa7: {  	s6 =	sshll.u32 s26, $0x1;
	_ =	strace $0x80000046;
	[dreg:$0x1] =	wrdreg $0xFFFFFFFF  }
0xa8: {  	s28 =	simm.s32 $_size_execute0_lowered;
	s4 =	sadd.s32 s4, s6;
	[dreg:$0x0] =	wrdreg $0x0  }
0xa9: {  	s6 =	sshll.u32 s28, $0x1;
	[dreg:$0x2] =	wrdreg s4  }
0xaa: {  	[dreg:$0x3] =	wrdreg s6  }
0xab: {  	[dreg:$0x4] =	wrdreg $0xC0  }
0xac: {  	_ =	task [dreg:s8], $0x5FFFF  }
0xad: {  	[dreg:$0x1] =	wrdreg $0xFFFFFFFF  }
0xae: {  	[dreg:$0x0] =	wrdreg $0x60  }
0xaf: {  	[dreg:$0x2] =	wrdreg s2  }
0xb0: {  	[dreg:$0x3] =	wrdreg s18  }
0xb1: {  	[dreg:$0x4] =	wrdreg s24  }
0xb2: {  	[dreg:$0x5] =	wrdreg $0x0  }
0xb3: {  	[dreg:$0x6] =	wrdreg $0x9  }
0xb4: {  	_ =	task.clear_ibuf [dreg:s8], $0x7FFFF;
	_ =	strace $0x90000046  }
0xb5: {  	s29 =	simm.s32 $0x9;
	_ =	strace $0x80000048  }
0xb6: {  	_ =	swait.ge [sflag:s29], $0x1  }
0xb7: {  	[sflag:s29] =	ssyncadd.s32 $0xFFFFFFFF  }
0xb8: {  	_ =	strace $0x90000048  }
0xb9: {  	_ =	sfence  }
0xba: {  	s30 =	sld [smem:$0x0];
	_ =	sdelay $0x2  }
0xbb: {  	s31 =	sshll.u32 s1, $0xD;
	s1 =	sshrl.u32 s1, $0x2  }
0xbc: {  	s3 =	sand.u32 $0x4000, s31;
	s1 =	sadd.s32 s1, s30  }
0xbd: {  	s0 =	sor.u32 s3, s0;
	s1 =	sshll.u32 s1, $0x11  }
0xbe: {  	s0 =	sor.u32 s1, s0  }
0xbf: {  	s0 =	sadd.s32 $0x8F2B, s0  }
0xc0: {  	[sflag:s0] =	ssyncadd.remote.s32 $0x1  }
0xc1: {  	_ =	sfence.sel $0xFFFF  }
0xc2: {  	[dreg:$0x0] =	wrdreg $0xFFFFFFFF;
	(pc) =	sbr.abs _section_cstart, $3  }
0xc3: {  	[dreg:$0x1] =	wrdreg $0xFFFFFFFF  }
0xc4: {  	_ =	task.clear_ibuf [dreg:s8], $0x2FFFF;
	_ =	strace $0x9FFFFFFF  }
0xc5: {  	(tm) =	ssettm $0x7FFFFFFF  }
tec
execute0_lowered:
.L_overlay_start_1:
0x0: {  	(tag) =	ssettag $0x1  }
0x1: {  	s1 =	rddreg [dreg:$0x0]  }
0x2: {  	s0 =	rddreg [dreg:$0x1]  }
0x3: {  	s2 =	rddreg [dreg:$0x2]  }
0x4: {  	s3 =	rddreg [dreg:$0x3];
	s4 =	simm.s32 $0x0;
	s5 =	srdreg.scid  }
0x5: {  	s10 =	stileid.u32;
	[smem:$0x7FF] =	sst s4  }
0x6: {  	s5 =	sand.u32 $0x1, s5;
	s6 =	smul.u32 $0x2780, s10;
	s21 =	sadd.s32 $0x1A00, s2  }
0x7: {  	s8 =	sadd.s32 $0xBA00, s2;
	s9 =	sadd.s32 $0xB800, s2;
	s29 =	sadd.s32 $0x9B00, s0  }
0x8: {  	s17 =	smul.u32 $0x4F000, s10;
	s30 =	sadd.s32 $0xB500, s2;
	s12 =	sadd.s32 $0xBA10, s2  }
0x9: {  	s14 =	sadd.s32 $0xBA20, s2;
	s15 =	sadd.s32 $0xB820, s2;
	s16 =	sadd.s32 $0xBA30, s2  }
0xa: {  	s22 =	sadd.s32 $0x25080, s1;
	_ =	strace $0x80000047;
	[dreg:$0x5] =	wrdreg s8  }
0xb: {  	p1 =	seq.s32 s10, $0xF;
	s7 =	smul.u32 $0x27800, s5;
	[dreg:$0x6] =	wrdreg s9  }
0xc: {  	s23 =	sshll.u32 s5, $0x4;
	s5 =	ssub.s32 $0x2, s5;
	[dreg:$0x9] =	wrdreg s29  }
0xd: {  	[dreg:$0xa] =	wrdreg s30;
	s13 =	sor.u32 s10, s23;
	s25 =	sshrl.u32 s5, $0x1  }
0xe: {  	s19 =	sshrl.u32 s17, $0x2;
	s17 =	sadd.s32 $0xB830, s2;
	s7 =	sadd.s32 s6, s7  }
0xf: {  	s24 =	smul.u32 $0x500, s13;
	p0 =	seq.s32 s13, $0x1F;
	s5 =	ssub.s32 s5, s25  }
0x10: {  	s18 =	smul.u32 $0x2800, s13;
	s23 =	sadd.s32 s7, s2;
	s7 =	simm.s32 $0x14  }
0x11: {  	s13 =	sadd.s32 $0xB810, s2;
	s7 =	simm.s32 @!p0 $0x28;
	s26 =	sadd.s32 s0, s24  }
0x12: {  	s28 =	sadd.s32 s21, s24;
	s20 =	sshrl.u32 s18, $0x3;
	s18 =	sadd.s32 s19, s3  }
0x13: {  	s19 =	sadd.s32 s1, s6;
	s6 =	sadd.s32 $0x128400, s3;
	[dreg:$0x7] =	wrdreg s26  }
0x14: {  	s23 =	sadd.s32 $0xBC00, s23;
	s24 =	smax.u32 s5, $0x1;
	[dreg:$0x8] =	wrdreg s28  }
0x15: {  	s31 =	sadd.s32 $0x280, s20;
	s25 =	sshrl.u32 @p1 s6, $0x3;
	s26 =	simm.s32 $0x80  }
0x16: {  	s20 =	sadd.s32 s0, s31;
	s21 =	sadd.s32 s21, s31;
	s0 =	simm.s32 $0x5  }
.LBB2_1:
0x17: {  	s2 =	simm.s32 @p0 $0x0;
	s5 =	simm.s32 @p0 $0x13C00;
	s6 =	rddreg [dreg:$0x9]  }
0x18: {  	[tilespmem:s5], [sflag:$0x5] =	stream.linear.gather @p0 [hbm4b:s6+s2], $0x800, $0x38;
	[tilespmem:$0x1E400] =	vst v63  }
0x19: {  	s5 =	simm.s32 @p0 $0x5  }
0x1a: {  	_ =	swait.ge @p0 [sflag:s5], $0x800  }
0x1b: {  	[sflag:s5] =	ssyncset.done @p0 $0x0  }
0x1c: {  	s6 =	simm.s32 @p0 $0x15000;
	s8 =	rddreg [dreg:$0xa];
	[sflag:s5] =	ssyncadd.s32 @p0 $0xFFFFF800  }
0x1d: {  	[tilespmem:s6], [sflag:$0x5] =	stream.linear.gather @p0 [hbm4b:s8+s2], $0x800, $0x38;
	[tilespmem:$0x1E400] =	vst v63  }
0x1e: {  	_ =	swait.ge @p0 [sflag:s5], $0x800  }
0x1f: {  	[sflag:s5] =	ssyncset.done @p0 $0x0  }
0x20: {  	s6 =	simm.s32 @p0 $0x14400;
	s8 =	rddreg [dreg:$0x5];
	[sflag:s5] =	ssyncadd.s32 @p0 $0xFFFFF800  }
0x21: {  	[tilespmem:s6], [sflag:$0x5] =	stream.linear.gather @p0 [hbm4b:s8+s2], $0x80, $0x38;
	[tilespmem:$0x1E400] =	vst v63  }
0x22: {  	_ =	swait.ge @p0 [sflag:s5], $0x80  }
0x23: {  	[sflag:s5] =	ssyncset.done @p0 $0x0  }
0x24: {  	s6 =	simm.s32 @p0 $0x15800;
	s8 =	rddreg [dreg:$0x6];
	[sflag:s5] =	ssyncadd.s32 @p0 $0xFFFFFF80  }
0x25: {  	[tilespmem:s6], [sflag:$0x5] =	stream.linear.gather @p0 [hbm4b:s8+s2], $0x80, $0x38;
	[tilespmem:$0x1E400] =	vst v63  }
0x26: {  	_ =	swait.ge @p0 [sflag:s5], $0x80  }
0x27: {  	[sflag:s5] =	ssyncset.done @p0 $0x0  }
0x28: {  	s6 =	simm.s32 @p0 $0x14480;
	[sflag:s5] =	ssyncadd.s32 @p0 $0xFFFFFF80  }
0x29: {  	[tilespmem:s6], [sflag:$0x5] =	stream.linear.gather @p0 [hbm4b:s12+s2], $0x80, $0x38;
	[tilespmem:$0x1E400] =	vst v63  }
0x2a: {  	_ =	swait.ge @p0 [sflag:s5], $0x80  }
0x2b: {  	[sflag:s5] =	ssyncset.done @p0 $0x0  }
0x2c: {  	s6 =	simm.s32 @p0 $0x15880;
	[sflag:s5] =	ssyncadd.s32 @p0 $0xFFFFFF80  }
0x2d: {  	[tilespmem:s6], [sflag:$0x5] =	stream.linear.gather @p0 [hbm4b:s13+s2], $0x80, $0x38;
	[tilespmem:$0x1E400] =	vst v63  }
0x2e: {  	_ =	swait.ge @p0 [sflag:s5], $0x80  }
0x2f: {  	[sflag:s5] =	ssyncset.done @p0 $0x0  }
0x30: {  	s6 =	simm.s32 @p0 $0x14500;
	[sflag:s5] =	ssyncadd.s32 @p0 $0xFFFFFF80  }
0x31: {  	[tilespmem:s6], [sflag:$0x5] =	stream.linear.gather @p0 [hbm4b:s14+s2], $0x80, $0x38;
	[tilespmem:$0x1E400] =	vst v63  }
0x32: {  	_ =	swait.ge @p0 [sflag:s5], $0x80  }
0x33: {  	[sflag:s5] =	ssyncset.done @p0 $0x0  }
0x34: {  	s6 =	simm.s32 @p0 $0x15900;
	[sflag:s5] =	ssyncadd.s32 @p0 $0xFFFFFF80  }
0x35: {  	[tilespmem:s6], [sflag:$0x5] =	stream.linear.gather @p0 [hbm4b:s15+s2], $0x80, $0x38;
	[tilespmem:$0x1E400] =	vst v63  }
0x36: {  	_ =	swait.ge @p0 [sflag:s5], $0x80  }
0x37: {  	[sflag:s5] =	ssyncset.done @p0 $0x0  }
0x38: {  	s6 =	simm.s32 @p0 $0x14580;
	[sflag:s5] =	ssyncadd.s32 @p0 $0xFFFFFF80  }
0x39: {  	[tilespmem:s6], [sflag:$0x5] =	stream.linear.gather @p0 [hbm4b:s16+s2], $0x80, $0x38;
	[tilespmem:$0x1E400] =	vst v63  }
0x3a: {  	_ =	swait.ge @p0 [sflag:s5], $0x80  }
0x3b: {  	[sflag:s5] =	ssyncset.done @p0 $0x0  }
0x3c: {  	s6 =	simm.s32 @p0 $0x15980;
	[sflag:s5] =	ssyncadd.s32 @p0 $0xFFFFFF80  }
0x3d: {  	[tilespmem:s6], [sflag:$0x5] =	stream.linear.gather @p0 [hbm4b:s17+s2], $0x80, $0x38;
	[tilespmem:$0x1E400] =	vst v63  }
0x3e: {  	_ =	swait.ge @p0 [sflag:s5], $0x80  }
0x3f: {  	s2 =	simm.s32 @!p0 $0x0;
	[sflag:s5] =	ssyncset.done @p0 $0x0  }
0x40: {  	s6 =	rddreg [dreg:$0x7];
	[sflag:s5] =	ssyncadd.s32 @p0 $0xFFFFFF80;
	s5 =	simm.s32 @!p0 $0x13C00  }
0x41: {  	[tilespmem:s5], [sflag:$0x5] =	stream.linear.gather @!p0 [hbm4b:s6+s2], $0x1400, $0x38;
	[tilespmem:$0x1E400] =	vst v63  }
0x42: {  	s5 =	simm.s32 @!p0 $0x5  }
0x43: {  	_ =	swait.ge @!p0 [sflag:s5], $0x1400  }
0x44: {  	[sflag:s5] =	ssyncset.done @!p0 $0x0  }
0x45: {  	s6 =	simm.s32 @!p0 $0x15000;
	s8 =	rddreg [dreg:$0x8];
	[sflag:s5] =	ssyncadd.s32 @!p0 $0xFFFFEC00  }
0x46: {  	[tilespmem:s6], [sflag:$0x5] =	stream.linear.gather @!p0 [hbm4b:s8+s2], $0x1400, $0x38;
	[tilespmem:$0x1E400] =	vst v63  }
0x47: {  	_ =	swait.ge @!p0 [sflag:s5], $0x1400  }
0x48: {  	[sflag:s5] =	ssyncset.done @!p0 $0x0  }
0x49: {  	s6 =	simm.s32 $0x13C00;
	s8 =	simm.s32 $0x16400;
	[sflag:s5] =	ssyncadd.s32 @!p0 $0xFFFFEC00  }
0x4a: {  	[tilespmem:s8], [sflag:$0x1] =	stream.indirect.gather [hbm4b:s1+s26], $0x80, s6, s26, $0xb8;
	[tilespmem:$0x1E400] =	vst v63  }
0x4b: {  	s9 =	simm.s32 $0x13C80;
	s11 =	simm.s32 $0x1A400;
	s2 =	simm.s32 @p1 $0x1FC5  }
0x4c: {  	[tilespmem:s11], [sflag:$0x2] =	stream.indirect.gather [hbm4b:s1+s26], $0x80, s9, s26, $0xb8;
	[tilespmem:$0x1E400] =	vst v63  }
0x4d: {  	[spmem:s25], [sflag:s2] =	dma.local @p1 [hbm:s22], $0x2080  }
0x4e: {  	s2 =	simm.s32 @p1 $0x5  }
0x4f: {  	_ =	swait.ge @p1 [sflag:s2], $0x2080  }
0x50: {  	s5 =	sshll.u32 @!p1 s10, $0x6;
	[sflag:s2] =	ssyncset.done @p1 $0x0  }
0x51: {  	[sflag:s2] =	ssyncadd.s32 @p1 $0xFFFFDF80;
	s2 =	sor.u32 @!p1 $0x1C05, s5;
	s5 =	sshrl.u32 @!p1 s18, $0x3  }
0x52: {  	[spmem:s5], [sflag:s2] =	dma.local @!p1 [hbm:s19], $0x2780  }
0x53: {  	s2 =	simm.s32 @!p1 $0x5  }
0x54: {  	_ =	swait.ge @!p1 [sflag:s2], $0x2780  }
0x55: {  	[sflag:s2] =	ssyncset.done @!p1 $0x0  }
0x56: {  	p2 =	sle.u32 s7, $0x0;
	[sflag:s2] =	ssyncadd.s32 @!p1 $0xFFFFD880  }
0x57: {  	s2 =	simm.s32 @!p2 $0x1;
	[bflag:$0x0] =	sbarrier.arrive $0xFFFF  }
0x58: {  	p3 =	sle.u32 @!p2 s7, $0x2;
	_ =	swait.ge @!p2 [sflag:s2], $0x4000  }
0x59: {  	s28 =	simm.s32 @!p2 $0x16400;
	s6 =	simm.s32 @!p2 $0x3;
	[sflag:s2] =	ssyncset.done @!p2 $0x0  }
0x5a: {  	s5 =	simm.s32 $0x15000;
	[sflag:s2] =	ssyncadd.s32 @!p2 $0xFFFFC000;
	s2 =	simm.s32 @!p2 $0x80  }
0x5b: {  	[spmem:s3] =	stream.indirect.scatter.add.f32 @!p2 [tilespmem:s28], [sflag:$0x3], $0x80, s5, s2, $0xb8;
	[tilespmem:$0x1E400] =	vst v63  }
0x5c: {  	p3 =	por p3, p2;
	_ =	swait.ge @!p2 [sflag:s6], $0x4000  }
0x5d: {  	s2 =	simm.s32 $0x13D00;
	s5 =	simm.s32 @!p3 $0x16400;
	[sflag:s6] =	ssyncset.done @!p2 $0x0  }
0x5e: {  	[sflag:s6] =	ssyncadd.s32 @!p2 $0xFFFFC000;
	s6 =	simm.s32 @!p3 $0x80;
	p2 =	sle.u32 s7, $0x1  }
0x5f: {  	[tilespmem:s5], [sflag:$0x1] =	stream.indirect.gather @!p3 [hbm4b:s1+s6], $0x80, s2, s6, $0xb8;
	[tilespmem:$0x1E400] =	vst v63  }
0x60: {  	s29 =	simm.s32 $0x13E00;
	s2 =	simm.s32 @!p2 $0x2  }
0x61: {  	s28 =	simm.s32 $0x2;
	s5 =	simm.s32 @!p2 $0x80;
	_ =	swait.ge @!p2 [sflag:s2], $0x4000  }
0x62: {  	s6 =	simm.s32 @!p2 $0x1A400;
	s30 =	simm.s32 @!p2 $0x15080;
	[sflag:s2] =	ssyncset.done @!p2 $0x0  }
0x63: {  	s31 =	simm.s32 @!p2 $0x4;
	p3 =	sle.u32 @!p2 s7, $0x3;
	[sflag:s2] =	ssyncadd.s32 @!p2 $0xFFFFC000  }
0x64: {  	[spmem:s3] =	stream.indirect.scatter.add.f32 @!p2 [tilespmem:s6], [sflag:$0x4], $0x80, s30, s5, $0xb8;
	[tilespmem:$0x1E400] =	vst v63  }
0x65: {  	p5 =	por p3, p2;
	s30 =	simm.s32 $0x15100;
	_ =	swait.ge @!p2 [sflag:s31], $0x4000  }
0x66: {  	s5 =	simm.s32 @!p5 $0x13D80;
	s6 =	simm.s32 @!p5 $0x1A400;
	[sflag:s31] =	ssyncset.done @!p2 $0x0  }
.LBB2_2:
0x67: {  	p4 =	sge.u32 s28, s7;
	[sflag:s31] =	ssyncadd.s32 @!p2 $0xFFFFC000  }
0x68: {  	s2 =	simm.s32 @!p5 $0x80;
	s31 =	smov.u32 s28;
	s8 =	smov.u32 s29  }
0x69: {  	[tilespmem:s6], [sflag:$0x2] =	stream.indirect.gather @!p5 [hbm4b:s1+s2], $0x80, s5, s2, $0xb8;
	[tilespmem:$0x1E400] =	vst v63  }
0x6a: {  	s28 =	sadd.s32 $0x2, s28;
	s2 =	simm.s32 @!p4 $0x1;
	s5 =	sadd.s32 @!p4 $0x2, s31  }
0x6b: {  	p3 =	sne.s32 s28, $0x28;
	p2 =	sge.u32 @!p4 s5, s7;
	_ =	swait.ge @!p4 [sflag:s2], $0x4000  }
0x6c: {  	s5 =	simm.s32 @!p4 $0x3;
	p5 =	por p2, p4;
	[sflag:s2] =	ssyncset.done @!p4 $0x0  }
0x6d: {  	s6 =	simm.s32 @!p4 $0x16400;
	[sflag:s2] =	ssyncadd.s32 @!p4 $0xFFFFC000;
	s2 =	simm.s32 @!p4 $0x80  }
0x6e: {  	[spmem:s3] =	stream.indirect.scatter.add.f32 @!p4 [tilespmem:s6], [sflag:$0x3], $0x80, s30, s2, $0xb8;
	[tilespmem:$0x1E400] =	vst v63  }
0x6f: {  	_ =	swait.ge @!p4 [sflag:s5], $0x4000  }
0x70: {  	s2 =	simm.s32 @!p5 $0x16400;
	s6 =	sadd.s32 $0x1, s31;
	[sflag:s5] =	ssyncset.done @!p4 $0x0  }
0x71: {  	p2 =	sge.u32 s6, s7;
	[sflag:s5] =	ssyncadd.s32 @!p4 $0xFFFFC000;
	s5 =	simm.s32 @!p5 $0x80  }
0x72: {  	[tilespmem:s2], [sflag:$0x1] =	stream.indirect.gather @!p5 [hbm4b:s1+s5], $0x80, s29, s5, $0xb8;
	[tilespmem:$0x1E400] =	vst v63  }
0x73: {  	s2 =	simm.s32 @!p2 $0x2;
	s5 =	sadd.s32 @!p2 $0x3, s31;
	s29 =	sadd.s32 $0x100, s29  }
0x74: {  	s6 =	simm.s32 @!p2 $0x80;
	s9 =	simm.s32 @!p2 $0x1A400;
	_ =	swait.ge @!p2 [sflag:s2], $0x4000  }
.Ltmp0:
0x75: {  	s10 =	sadd.s32 @!p2 $0x80, s30;
	[sflag:s2] =	ssyncset.done @!p2 $0x0;
	(pc) =	sbr.rel @p3 .LBB2_2-.Ltmp0, $4  }
0x76: {  	s31 =	simm.s32 @!p2 $0x4;
	p4 =	sge.u32 @!p2 s5, s7;
	[sflag:s2] =	ssyncadd.s32 @!p2 $0xFFFFC000  }
0x77: {  	[spmem:s3] =	stream.indirect.scatter.add.f32 @!p2 [tilespmem:s9], [sflag:$0x4], $0x80, s10, s6, $0xb8;
	[tilespmem:$0x1E400] =	vst v63  }
0x78: {  	s30 =	sadd.s32 $0x100, s30;
	p5 =	por p4, p2;
	_ =	swait.ge @!p2 [sflag:s31], $0x4000  }
0x79: {  	s5 =	sadd.s32 @!p5 $0x80, s8;
	s6 =	simm.s32 @!p5 $0x1A400;
	[sflag:s31] =	ssyncset.done @!p2 $0x0  }
0x7a: {  	[sflag:s31] =	ssyncadd.s32 @!p2 $0xFFFFC000;
	s2 =	simm.s32 @!p5 $0x80  }
0x7b: {  	[tilespmem:s6], [sflag:$0x2] =	stream.indirect.gather @!p5 [hbm4b:s1+s2], $0x80, s5, s2, $0xb8;
	[tilespmem:$0x1E400] =	vst v63  }
0x7c: {  	s2 =	simm.s32 @!p0 $0x0;
	s5 =	simm.s32 @!p0 $0x13C00;
	s6 =	simm.s32 @!p0 $0x5  }
0x7d: {  	[tilespmem:s5], [sflag:$0x5] =	stream.linear.gather @!p0 [hbm4b:s20+s2], $0x1400, $0x38;
	[tilespmem:$0x1E400] =	vst v63  }
0x7e: {  	_ =	swait.ge @!p0 [sflag:s6], $0x1400  }
0x7f: {  	[sflag:s6] =	ssyncset.done @!p0 $0x0  }
0x80: {  	s8 =	simm.s32 @!p0 $0x15000;
	[sflag:s6] =	ssyncadd.s32 @!p0 $0xFFFFEC00  }
0x81: {  	[tilespmem:s8], [sflag:$0x5] =	stream.linear.gather @!p0 [hbm4b:s21+s2], $0x1400, $0x38;
	[tilespmem:$0x1E400] =	vst v63  }
0x82: {  	s28 =	simm.s32 @!p0 $0x28;
	_ =	swait.ge @!p0 [sflag:s6], $0x1400  }
0x83: {  	s28 =	simm.s32 @p0 $0x0;
	[sflag:s6] =	ssyncset.done @!p0 $0x0  }
0x84: {  	s2 =	simm.s32 @!p0 $0x80;
	[sflag:s6] =	ssyncadd.s32 @!p0 $0xFFFFEC00;
	s6 =	simm.s32 @!p0 $0x16400  }
0x85: {  	[tilespmem:s6], [sflag:$0x1] =	stream.indirect.gather @!p0 [hbm4b:s1+s2], $0x80, s5, s2, $0xb8;
	[tilespmem:$0x1E400] =	vst v63  }
0x86: {  	p2 =	sle.u32 s28, $0x0;
	s5 =	simm.s32 @!p0 $0x13C80;
	s6 =	simm.s32 @!p0 $0x1A400  }
0x87: {  	[tilespmem:s6], [sflag:$0x2] =	stream.indirect.gather @!p0 [hbm4b:s1+s2], $0x80, s5, s2, $0xb8;
	[tilespmem:$0x1E400] =	vst v63  }
0x88: {  	s2 =	simm.s32 @!p2 $0x1  }
0x89: {  	p3 =	sle.u32 @!p2 s28, $0x2;
	_ =	swait.ge @!p2 [sflag:s2], $0x4000  }
0x8a: {  	s8 =	simm.s32 @!p2 $0x16400;
	s5 =	simm.s32 $0x15000;
	[sflag:s2] =	ssyncset.done @!p2 $0x0  }
0x8b: {  	s6 =	simm.s32 @!p2 $0x3;
	[sflag:s2] =	ssyncadd.s32 @!p2 $0xFFFFC000;
	s2 =	simm.s32 @!p2 $0x80  }
0x8c: {  	[spmem:s3] =	stream.indirect.scatter.add.f32 @!p2 [tilespmem:s8], [sflag:$0x3], $0x80, s5, s2, $0xb8;
	[tilespmem:$0x1E400] =	vst v63  }
0x8d: {  	p3 =	por p3, p2;
	_ =	swait.ge @!p2 [sflag:s6], $0x4000  }
0x8e: {  	s2 =	simm.s32 $0x13D00;
	s5 =	simm.s32 @!p3 $0x16400;
	[sflag:s6] =	ssyncset.done @!p2 $0x0  }
0x8f: {  	[sflag:s6] =	ssyncadd.s32 @!p2 $0xFFFFC000;
	s6 =	simm.s32 @!p3 $0x80;
	p2 =	sle.u32 s28, $0x1  }
0x90: {  	[tilespmem:s5], [sflag:$0x1] =	stream.indirect.gather @!p3 [hbm4b:s1+s6], $0x80, s2, s6, $0xb8;
	[tilespmem:$0x1E400] =	vst v63  }
0x91: {  	s29 =	simm.s32 $0x2;
	s2 =	simm.s32 @!p2 $0x2  }
0x92: {  	s30 =	simm.s32 $0x13E00;
	s6 =	simm.s32 @!p2 $0x80;
	_ =	swait.ge @!p2 [sflag:s2], $0x4000  }
0x93: {  	s8 =	simm.s32 @!p2 $0x1A400;
	s9 =	simm.s32 @!p2 $0x15080;
	[sflag:s2] =	ssyncset.done @!p2 $0x0  }
0x94: {  	s5 =	simm.s32 @!p2 $0x4;
	p3 =	sle.u32 @!p2 s28, $0x3;
	[sflag:s2] =	ssyncadd.s32 @!p2 $0xFFFFC000  }
0x95: {  	[spmem:s3] =	stream.indirect.scatter.add.f32 @!p2 [tilespmem:s8], [sflag:$0x4], $0x80, s9, s6, $0xb8;
	[tilespmem:$0x1E400] =	vst v63  }
0x96: {  	s31 =	simm.s32 $0x15100;
	p5 =	por p3, p2;
	_ =	swait.ge @!p2 [sflag:s5], $0x4000  }
0x97: {  	s2 =	simm.s32 @!p5 $0x1A400;
	s6 =	simm.s32 @!p5 $0x13D80;
	[sflag:s5] =	ssyncset.done @!p2 $0x0  }
.LBB2_4:
0x98: {  	p4 =	sge.u32 s29, s28;
	[sflag:s5] =	ssyncadd.s32 @!p2 $0xFFFFC000  }
0x99: {  	s5 =	simm.s32 @!p5 $0x80;
	s8 =	smov.u32 s29;
	s9 =	smov.u32 s30  }
0x9a: {  	[tilespmem:s2], [sflag:$0x2] =	stream.indirect.gather @!p5 [hbm4b:s1+s5], $0x80, s6, s5, $0xb8;
	[tilespmem:$0x1E400] =	vst v63  }
0x9b: {  	s29 =	sadd.s32 $0x2, s29;
	s2 =	simm.s32 @!p4 $0x1;
	s5 =	sadd.s32 @!p4 $0x2, s8  }
0x9c: {  	p3 =	sne.s32 s29, $0x28;
	p2 =	sge.u32 @!p4 s5, s28;
	_ =	swait.ge @!p4 [sflag:s2], $0x4000  }
0x9d: {  	s5 =	simm.s32 @!p4 $0x3;
	p5 =	por p2, p4;
	[sflag:s2] =	ssyncset.done @!p4 $0x0  }
0x9e: {  	s6 =	simm.s32 @!p4 $0x16400;
	[sflag:s2] =	ssyncadd.s32 @!p4 $0xFFFFC000;
	s2 =	simm.s32 @!p4 $0x80  }
0x9f: {  	[spmem:s3] =	stream.indirect.scatter.add.f32 @!p4 [tilespmem:s6], [sflag:$0x3], $0x80, s31, s2, $0xb8;
	[tilespmem:$0x1E400] =	vst v63  }
0xa0: {  	_ =	swait.ge @!p4 [sflag:s5], $0x4000  }
0xa1: {  	s2 =	simm.s32 @!p5 $0x16400;
	s6 =	sadd.s32 $0x1, s8;
	[sflag:s5] =	ssyncset.done @!p4 $0x0  }
0xa2: {  	p2 =	sge.u32 s6, s28;
	[sflag:s5] =	ssyncadd.s32 @!p4 $0xFFFFC000;
	s5 =	simm.s32 @!p5 $0x80  }
0xa3: {  	[tilespmem:s2], [sflag:$0x1] =	stream.indirect.gather @!p5 [hbm4b:s1+s5], $0x80, s30, s5, $0xb8;
	[tilespmem:$0x1E400] =	vst v63  }
0xa4: {  	s6 =	sadd.s32 @!p2 $0x3, s8;
	s2 =	simm.s32 @!p2 $0x2;
	s30 =	sadd.s32 $0x100, s30  }
0xa5: {  	s8 =	simm.s32 @!p2 $0x80;
	s10 =	simm.s32 @!p2 $0x1A400;
	_ =	swait.ge @!p2 [sflag:s2], $0x4000  }
.Ltmp1:
0xa6: {  	s11 =	sadd.s32 @!p2 $0x80, s31;
	[sflag:s2] =	ssyncset.done @!p2 $0x0;
	(pc) =	sbr.rel @p3 .LBB2_4-.Ltmp1, $4  }
0xa7: {  	p4 =	sge.u32 @!p2 s6, s28;
	s5 =	simm.s32 @!p2 $0x4;
	[sflag:s2] =	ssyncadd.s32 @!p2 $0xFFFFC000  }
0xa8: {  	[spmem:s3] =	stream.indirect.scatter.add.f32 @!p2 [tilespmem:s10], [sflag:$0x4], $0x80, s11, s8, $0xb8;
	[tilespmem:$0x1E400] =	vst v63  }
0xa9: {  	s31 =	sadd.s32 $0x100, s31;
	p5 =	por p4, p2;
	_ =	swait.ge @!p2 [sflag:s5], $0x4000  }
0xaa: {  	s6 =	sadd.s32 @!p5 $0x80, s9;
	s2 =	simm.s32 @!p5 $0x1A400;
	[sflag:s5] =	ssyncset.done @!p2 $0x0  }
0xab: {  	[sflag:s5] =	ssyncadd.s32 @!p2 $0xFFFFC000  }
0xac: {  	s5 =	simm.s32 @!p5 $0x80;
	s10 =	stileid.u32;
	s4 =	sadd.s32 $0x1, s4  }
0xad: {  	[tilespmem:s2], [sflag:$0x2] =	stream.indirect.gather @!p5 [hbm4b:s1+s5], $0x80, s6, s5, $0xb8;
	[tilespmem:$0x1E400] =	vst v63  }
0xae: {  	s31 =	sshrl.u32 s18, $0x3;
	s30 =	sshll.u32 s10, $0x6;
	p2 =	sne.s32 s4, s24  }
.Ltmp2:
0xaf: {  	[bflag:$0x0] =	sbarrier.arrive $0xFFFF;
	s2 =	sor.u32 $0x1C05, s30;
	(pc) =	sbr.rel @p2 .LBB2_1-.Ltmp2, $4  }
0xb0: {  	[hbm:s23], [sflag:s2] =	dma.local [spmem:s31], $0x2780  }
0xb1: {  	_ =	swait.ge [sflag:s0], $0x2780  }
0xb2: {  	[sflag:s0] =	ssyncset.done $0x0  }
0xb3: {  	[sflag:s0] =	ssyncadd.s32 $0xFFFFD880  }
0xb4: {  	_ =	sfence.sel $0x180000  }
0xb5: {  	[bflag:$0x0] =	sbarrier.arrive $0xFFFF  }
0xb6: {  	_ =	strace $0x90000047  }
0xb7: {  	[bflag:$0x2] =	sbarrier.arrive $0xFFFF  }
0xb8: {  	p0 =	sne.s32 s10, $0x0;
	s0 =	rddreg [dreg:$0x4]  }
0xb9: {  	s0 =	sadd.s32 @!p0 $0x100000, s0  }
0xba: {  	[sflag:s0] =	ssyncadd.tile.s32 @!p0 $0x1;
	_ =	shalt  }
.Lfunc_end2:
_tile_overlayer_lowered:
.L_overlay_start_2:
0xbb: {  	(tag) =	ssettag $0x2  }
0xbc: {  	s0 =	rddreg [dreg:$0x0];
	s2 =	stileid.u32  }
0xbd: {  	s1 =	rddreg [dreg:$0x1];
	p0 =	sne.s32 s2, $0x0  }
0xbe: {  	s3 =	rddreg [dreg:$0x2];
	[bflag:$0x3] =	sbarrier.arrive $0xFFFF;
	s2 =	simm.s32 @!p0 $0x1C05  }
0xbf: {  	[timem:s3], [sflag:s2] =	dma.local @!p0 [hbm:s0], s1  }
0xc0: {  	s0 =	simm.s32 @!p0 $0x5  }
0xc1: {  	_ =	swait.ge @!p0 [sflag:s0], s1  }
0xc2: {  	s1 =	ssub.s32 @!p0 $0x0, s1;
	[sflag:s0] =	ssyncset.done @!p0 $0x0  }
0xc3: {  	[sflag:s0] =	ssyncadd.s32 @!p0 s1  }
0xc4: {  	[bflag:$0x3] =	sbarrier.arrive $0xFFFF  }
0xc5: {  	_ =	shalt  }

</sc_bundles>
